<compile_context>
chip_gen: v7x
topology: tpu7x:2x2x1
jax: 0.10.2.dev20260603
libtpu: 0.0.44.dev20260713+nightly
codegen_flags: <defaults>
</compile_context>

<pallas_src>
import functools

import jax
import jax.numpy as jnp
from jax import lax
from jax.experimental import pallas as pl
from jax.experimental.pallas import tpu as pltpu
from jax.experimental.pallas import tpu_sc as plsc

N_ROWS = 32768
N_COLS = 256
N_SEG = 16
LANES = 16
NC, NS = 2, 16
NW = NC * NS

TC_ROWS = 16384
SC_ROWS = N_ROWS - TC_ROWS
ROWS_W = SC_ROWS // NW
CHUNK = 64
N_CHUNK = ROWS_W // CHUNK
GROUP = 16
N_GROUP = CHUNK // GROUP
CBLK = N_COLS // LANES

BR = 1024

_mesh = plsc.VectorSubcoreMesh(
    core_axis_name="c", subcore_axis_name="s", num_cores=NC, num_subcores=NS
)


@functools.partial(
    pl.kernel,
    out_type=jax.ShapeDtypeStruct((NW, N_SEG, N_COLS), jnp.float32),
    mesh=_mesh,
    compiler_params=pltpu.CompilerParams(use_tc_tiling_on_sc=True),
    scratch_types=[
        pltpu.VMEM((CHUNK, N_COLS), jnp.float32),
        pltpu.VMEM((CHUNK, N_COLS), jnp.float32),
        pltpu.VMEM((ROWS_W + LANES,), jnp.int32),
        pltpu.VMEM((N_SEG, N_COLS), jnp.float32),
        pltpu.SemaphoreType.DMA,
        pltpu.SemaphoreType.DMA,
    ],
)
def _sc_partial_max(x_hbm, ids_hbm, out_hbm, xbufa, xbufb, idsbuf, acc, sema, semb):
    cid = lax.axis_index("c")
    sid = lax.axis_index("s")
    wid = sid * NC + cid
    base = TC_ROWS + wid * ROWS_W

    neg_inf = jnp.full((LANES,), -jnp.inf, jnp.float32)

    def init_body(j, carry):
        col = pl.multiple_of(j * LANES, LANES)
        for s in range(N_SEG):
            acc[s, pl.ds(col, LANES)] = neg_inf
        return carry

    lax.fori_loop(0, CBLK, init_body, 0)

    pltpu.sync_copy(ids_hbm.at[pl.ds(base, ROWS_W)], idsbuf.at[pl.ds(0, ROWS_W)])

    def _chunk_src(ci):
        row0 = base + ci * CHUNK
        return x_hbm.at[pl.ds(pl.multiple_of(row0, CHUNK), CHUNK), :]

    def _start(ci, buf, sem):
        pltpu.make_async_copy(_chunk_src(ci), buf, sem).start()

    def _wait(buf, sem):
        pltpu.make_async_copy(_chunk_src(0), buf, sem).wait()

    def _process(ci, xbuf):
        def group_body(g, inner):
            lrow = pl.multiple_of(g * GROUP, GROUP)
            id0 = ci * CHUNK + lrow
            idv = idsbuf[pl.ds(pl.multiple_of(id0, LANES), GROUP)]
            lo = idv[0]
            hi = idv[GROUP - 1]

            @pl.when(lo == hi)
            def _fast():
                def col_body(j, carry):
                    col = pl.multiple_of(j * LANES, LANES)
                    m = acc[lo, pl.ds(col, LANES)]
                    for r in range(GROUP):
                        m = jnp.maximum(m, xbuf[lrow + r, pl.ds(col, LANES)])
                    acc[lo, pl.ds(col, LANES)] = m
                    return carry

                lax.fori_loop(0, CBLK, col_body, 0)

            @pl.when(lo != hi)
            def _slow():
                def row_body(r, carry):
                    seg = idsbuf[pl.ds(id0 + r, LANES)][0]

                    def rcol_body(j, inner):
                        col = pl.multiple_of(j * LANES, LANES)
                        a = acc[seg, pl.ds(col, LANES)]
                        v = xbuf[lrow + r, pl.ds(col, LANES)]
                        acc[seg, pl.ds(col, LANES)] = jnp.maximum(a, v)
                        return inner

                    lax.fori_loop(0, CBLK, rcol_body, 0)
                    return carry

                lax.fori_loop(0, GROUP, row_body, 0)

            return inner

        lax.fori_loop(0, N_GROUP, group_body, 0)

    _start(0, xbufa, sema)

    def outer_body(i, carry):
        ci = pl.multiple_of(i * 2, 2)
        _start(ci + 1, xbufb, semb)
        _wait(xbufa, sema)
        _process(ci, xbufa)

        @pl.when(ci + 2 < N_CHUNK)
        def _prefetch_a():
            _start(ci + 2, xbufa, sema)

        _wait(xbufb, semb)
        _process(ci + 1, xbufb)
        return carry

    lax.fori_loop(0, N_CHUNK // 2, outer_body, 0)

    pltpu.sync_copy(acc, out_hbm.at[wid])


def _tc_partial_body(b_ref, x_ref, o_ref):
    i = pl.program_id(0)

    @pl.when(i == 0)
    def _init():
        o_ref[:] = jnp.full((N_SEG, N_COLS), -jnp.inf, jnp.float32)

    xblk = x_ref[:]
    rowid = lax.broadcasted_iota(jnp.int32, (BR, 1), 0)
    blk0 = i * BR
    for s in range(N_SEG):
        r0 = jnp.maximum(b_ref[s] - blk0, 0)
        r1 = jnp.minimum(b_ref[s + 1] - blk0, BR)

        @pl.when(r1 > r0)
        def _update(s=s, r0=r0, r1=r1):
            mask = (rowid >= r0) & (rowid < r1)
            m = jnp.max(
                jnp.where(mask, xblk, -jnp.inf), axis=0, keepdims=True
            )
            o_ref[pl.ds(s, 1), :] = jnp.maximum(o_ref[pl.ds(s, 1), :], m)


_tc_partial = pl.pallas_call(
    _tc_partial_body,
    grid_spec=pltpu.PrefetchScalarGridSpec(
        num_scalar_prefetch=1,
        grid=(TC_ROWS // BR,),
        in_specs=[pl.BlockSpec((BR, N_COLS), lambda i, b: (i, 0))],
        out_specs=pl.BlockSpec((N_SEG, N_COLS), lambda i, b: (0, 0)),
    ),
    out_shape=jax.ShapeDtypeStruct((N_SEG, N_COLS), jnp.float32),
)


def _combine_body(p_ref, t_ref, o_ref):
    o_ref[:] = jnp.maximum(jnp.max(p_ref[:], axis=0), t_ref[:])


_combine = pl.pallas_call(
    _combine_body,
    out_shape=jax.ShapeDtypeStruct((N_SEG, N_COLS), jnp.float32),
)


@jax.jit
def kernel(x, batch_ids):
    ids = batch_ids.astype(jnp.int32)
    part = _sc_partial_max(x, ids)
    bounds = jnp.searchsorted(
        ids, jnp.arange(N_SEG + 1, dtype=jnp.int32), method="compare_all"
    ).astype(jnp.int32)
    tcp = _tc_partial(bounds, x)
    return _combine(part, tcp)

# --- scband reference (transcript-rebuilt; emitter-appended) ---
"""Pipeline reference for scband-mac-20907900797318 (READ-ONLY COPY).

The authoritative reference and input builder live on the scoring server;
editing this copy changes nothing except your own understanding.
"""

import jax, jax.numpy as jnp
import numpy as np

NUM_SEGMENTS = 16

def setup_inputs(seed: int = 0) -> dict:
    key = jax.random.key(seed)
    k1, k2 = jax.random.split(key)
    x = jax.random.normal(k1, (32768, 256), dtype=jnp.float32)
    batch_ids = jnp.sort(jax.random.randint(k2, (32768,), 0, NUM_SEGMENTS, dtype=jnp.int64))
    return {"x": x, "batch_ids": batch_ids}

def reference(x, batch_ids):
    # MAC = MinkowskiGlobalMaxPooling: per-batch-element max over all
    # sparse coordinates' features, returning the pooled feature matrix .F
    # of shape [B, input_dim].
    pooled = jax.ops.segment_max(x, batch_ids, num_segments=NUM_SEGMENTS)
    return pooled

if __name__ == "__main__":
    import jax
    _d = setup_inputs()
    print(jax.jit(kernel)(*tuple(_d.values())))

</pallas_src>

<mosaic_0001>
#map = affine_map<(d0, d1) -> (0, 0)>
#map1 = affine_map<(d0, d1) -> (0)>
#map2 = affine_map<(d0, d1) -> (0, 0, 0)>
module attributes {stable_mosaic.version = 14 : i64} {
  func.func @_sc_partial_max(%arg0: i32, %arg1: i32, %arg2: memref<32768x256xf32, #tpu.memory_space<hbm>>, %arg3: memref<32768xi32, #tpu.memory_space<hbm>>, %arg4: memref<32x16x256xf32, #tpu.memory_space<hbm>>, %arg5: memref<64x256xf32, #tpu.memory_space<vmem>>, %arg6: memref<64x256xf32, #tpu.memory_space<vmem>>, %arg7: memref<528xi32, #tpu.memory_space<vmem>>, %arg8: memref<16x256xf32, #tpu.memory_space<vmem>>, %arg9: memref<!tpu.dma_semaphore, #tpu.memory_space<semaphore_mem>>, %arg10: memref<!tpu.dma_semaphore, #tpu.memory_space<semaphore_mem>>) attributes {dimension_semantics = [#tpu.dimension_semantics<core_parallel>, #tpu.dimension_semantics<subcore_parallel>], iteration_bounds = array<i64: 2, 16>, scalar_prefetch = 0 : i64, scratch_operands = 6 : i64, tpu.core_type = #tpu.core_type<sc_vector_subcore>, window_params = [{transform_indices = #map}, {transform_indices = #map1}, {transform_indices = #map2}]} {
    %mul3A = arith.constant 2 : i32
    %mul3A_0 = arith.muli %arg1, %mul3A : i32
    %add3A = arith.addi %mul3A_0, %arg0 : i32
    %mul3A_1 = arith.constant 512 : i32
    %mul3A_2 = arith.muli %add3A, %mul3A_1 : i32
    %add3A_3 = arith.constant 16384 : i32
    %add3A_4 = arith.addi %add3A_3, %mul3A_2 : i32
    %broadcast_in_dim3A = arith.constant 0xFF800000 : f32
    %broadcast_in_dim3A_5 = vector.broadcast %broadcast_in_dim3A : f32 to vector<16xf32>
    %scan3A = arith.constant 0 : i32
    %scan3A_6 = arith.constant 0 : i32
    %scan3A_7 = arith.constant 16 : i32
    %scan3A_8 = arith.addi %scan3A_6, %scan3A_7 : i32
    %scan3A_9 = arith.constant 1 : i32
    scf.for %scan3A_22 = %scan3A_6 to %scan3A_8 step %scan3A_9  : i32 {
      %mul3A_23 = arith.constant 16 : i32
      %mul3A_24 = arith.muli %scan3A_22, %mul3A_23 : i32
      %multiple_of3A_25 = tpu.assume_multiple %mul3A_24, 16 : i32
      %swap3A = arith.constant 0 : i32
      %swap3A_26 = arith.index_cast %swap3A : i32 to index
      %swap3A_27 = arith.index_cast %multiple_of3A_25 : i32 to index
      %swap3A_28 = tpu.vector_load %arg8[%swap3A_26, %swap3A_27] {strides = array<i32>} : memref<16x256xf32, #tpu.memory_space<vmem>>, vector<1x16xf32>,
      %swap3A_29 = vector.shape_cast %swap3A_28 : vector<1x16xf32> to vector<16xf32>
      %swap3A_30 = vector.shape_cast %broadcast_in_dim3A_5 : vector<16xf32> to vector<1x16xf32>
      tpu.vector_store %arg8[%swap3A_26, %swap3A_27], %swap3A_30 {strides = array<i32>} : memref<16x256xf32, #tpu.memory_space<vmem>>, vector<1x16xf32>,
      %swap3A_31 = arith.constant 1 : i32
      %swap3A_32 = arith.index_cast %swap3A_31 : i32 to index
      %swap3A_33 = arith.index_cast %multiple_of3A_25 : i32 to index
      %swap3A_34 = tpu.vector_load %arg8[%swap3A_32, %swap3A_33] {strides = array<i32>} : memref<16x256xf32, #tpu.memory_space<vmem>>, vector<1x16xf32>,
      %swap3A_35 = vector.shape_cast %swap3A_34 : vector<1x16xf32> to vector<16xf32>
      %swap3A_36 = vector.shape_cast %broadcast_in_dim3A_5 : vector<16xf32> to vector<1x16xf32>
      tpu.vector_store %arg8[%swap3A_32, %swap3A_33], %swap3A_36 {strides = array<i32>} : memref<16x256xf32, #tpu.memory_space<vmem>>, vector<1x16xf32>,
      %swap3A_37 = arith.constant 2 : i32
      %swap3A_38 = arith.index_cast %swap3A_37 : i32 to index
      %swap3A_39 = arith.index_cast %multiple_of3A_25 : i32 to index
      %swap3A_40 = tpu.vector_load %arg8[%swap3A_38, %swap3A_39] {strides = array<i32>} : memref<16x256xf32, #tpu.memory_space<vmem>>, vector<1x16xf32>,
      %swap3A_41 = vector.shape_cast %swap3A_40 : vector<1x16xf32> to vector<16xf32>
      %swap3A_42 = vector.shape_cast %broadcast_in_dim3A_5 : vector<16xf32> to vector<1x16xf32>
      tpu.vector_store %arg8[%swap3A_38, %swap3A_39], %swap3A_42 {strides = array<i32>} : memref<16x256xf32, #tpu.memory_space<vmem>>, vector<1x16xf32>,
      %swap3A_43 = arith.constant 3 : i32
      %swap3A_44 = arith.index_cast %swap3A_43 : i32 to index
      %swap3A_45 = arith.index_cast %multiple_of3A_25 : i32 to index
      %swap3A_46 = tpu.vector_load %arg8[%swap3A_44, %swap3A_45] {strides = array<i32>} : memref<16x256xf32, #tpu.memory_space<vmem>>, vector<1x16xf32>,
      %swap3A_47 = vector.shape_cast %swap3A_46 : vector<1x16xf32> to vector<16xf32>
      %swap3A_48 = vector.shape_cast %broadcast_in_dim3A_5 : vector<16xf32> to vector<1x16xf32>
      tpu.vector_store %arg8[%swap3A_44, %swap3A_45], %swap3A_48 {strides = array<i32>} : memref<16x256xf32, #tpu.memory_space<vmem>>, vector<1x16xf32>,
      %swap3A_49 = arith.constant 4 : i32
      %swap3A_50 = arith.index_cast %swap3A_49 : i32 to index
      %swap3A_51 = arith.index_cast %multiple_of3A_25 : i32 to index
      %swap3A_52 = tpu.vector_load %arg8[%swap3A_50, %swap3A_51] {strides = array<i32>} : memref<16x256xf32, #tpu.memory_space<vmem>>, vector<1x16xf32>,
      %swap3A_53 = vector.shape_cast %swap3A_52 : vector<1x16xf32> to vector<16xf32>
      %swap3A_54 = vector.shape_cast %broadcast_in_dim3A_5 : vector<16xf32> to vector<1x16xf32>
      tpu.vector_store %arg8[%swap3A_50, %swap3A_51], %swap3A_54 {strides = array<i32>} : memref<16x256xf32, #tpu.memory_space<vmem>>, vector<1x16xf32>,
      %swap3A_55 = arith.constant 5 : i32
      %swap3A_56 = arith.index_cast %swap3A_55 : i32 to index
      %swap3A_57 = arith.index_cast %multiple_of3A_25 : i32 to index
      %swap3A_58 = tpu.vector_load %arg8[%swap3A_56, %swap3A_57] {strides = array<i32>} : memref<16x256xf32, #tpu.memory_space<vmem>>, vector<1x16xf32>,
      %swap3A_59 = vector.shape_cast %swap3A_58 : vector<1x16xf32> to vector<16xf32>
      %swap3A_60 = vector.shape_cast %broadcast_in_dim3A_5 : vector<16xf32> to vector<1x16xf32>
      tpu.vector_store %arg8[%swap3A_56, %swap3A_57], %swap3A_60 {strides = array<i32>} : memref<16x256xf32, #tpu.memory_space<vmem>>, vector<1x16xf32>,
      %swap3A_61 = arith.constant 6 : i32
      %swap3A_62 = arith.index_cast %swap3A_61 : i32 to index
      %swap3A_63 = arith.index_cast %multiple_of3A_25 : i32 to index
      %swap3A_64 = tpu.vector_load %arg8[%swap3A_62, %swap3A_63] {strides = array<i32>} : memref<16x256xf32, #tpu.memory_space<vmem>>, vector<1x16xf32>,
      %swap3A_65 = vector.shape_cast %swap3A_64 : vector<1x16xf32> to vector<16xf32>
      %swap3A_66 = vector.shape_cast %broadcast_in_dim3A_5 : vector<16xf32> to vector<1x16xf32>
      tpu.vector_store %arg8[%swap3A_62, %swap3A_63], %swap3A_66 {strides = array<i32>} : memref<16x256xf32, #tpu.memory_space<vmem>>, vector<1x16xf32>,
      %swap3A_67 = arith.constant 7 : i32
      %swap3A_68 = arith.index_cast %swap3A_67 : i32 to index
      %swap3A_69 = arith.index_cast %multiple_of3A_25 : i32 to index
      %swap3A_70 = tpu.vector_load %arg8[%swap3A_68, %swap3A_69] {strides = array<i32>} : memref<16x256xf32, #tpu.memory_space<vmem>>, vector<1x16xf32>,
      %swap3A_71 = vector.shape_cast %swap3A_70 : vector<1x16xf32> to vector<16xf32>
      %swap3A_72 = vector.shape_cast %broadcast_in_dim3A_5 : vector<16xf32> to vector<1x16xf32>
      tpu.vector_store %arg8[%swap3A_68, %swap3A_69], %swap3A_72 {strides = array<i32>} : memref<16x256xf32, #tpu.memory_space<vmem>>, vector<1x16xf32>,
      %swap3A_73 = arith.constant 8 : i32
      %swap3A_74 = arith.index_cast %swap3A_73 : i32 to index
      %swap3A_75 = arith.index_cast %multiple_of3A_25 : i32 to index
      %swap3A_76 = tpu.vector_load %arg8[%swap3A_74, %swap3A_75] {strides = array<i32>} : memref<16x256xf32, #tpu.memory_space<vmem>>, vector<1x16xf32>,
      %swap3A_77 = vector.shape_cast %swap3A_76 : vector<1x16xf32> to vector<16xf32>
      %swap3A_78 = vector.shape_cast %broadcast_in_dim3A_5 : vector<16xf32> to vector<1x16xf32>
      tpu.vector_store %arg8[%swap3A_74, %swap3A_75], %swap3A_78 {strides = array<i32>} : memref<16x256xf32, #tpu.memory_space<vmem>>, vector<1x16xf32>,
      %swap3A_79 = arith.constant 9 : i32
      %swap3A_80 = arith.index_cast %swap3A_79 : i32 to index
      %swap3A_81 = arith.index_cast %multiple_of3A_25 : i32 to index
      %swap3A_82 = tpu.vector_load %arg8[%swap3A_80, %swap3A_81] {strides = array<i32>} : memref<16x256xf32, #tpu.memory_space<vmem>>, vector<1x16xf32>,
      %swap3A_83 = vector.shape_cast %swap3A_82 : vector<1x16xf32> to vector<16xf32>
      %swap3A_84 = vector.shape_cast %broadcast_in_dim3A_5 : vector<16xf32> to vector<1x16xf32>
      tpu.vector_store %arg8[%swap3A_80, %swap3A_81], %swap3A_84 {strides = array<i32>} : memref<16x256xf32, #tpu.memory_space<vmem>>, vector<1x16xf32>,
      %swap3A_85 = arith.constant 10 : i32
      %swap3A_86 = arith.index_cast %swap3A_85 : i32 to index
      %swap3A_87 = arith.index_cast %multiple_of3A_25 : i32 to index
      %swap3A_88 = tpu.vector_load %arg8[%swap3A_86, %swap3A_87] {strides = array<i32>} : memref<16x256xf32, #tpu.memory_space<vmem>>, vector<1x16xf32>,
      %swap3A_89 = vector.shape_cast %swap3A_88 : vector<1x16xf32> to vector<16xf32>
      %swap3A_90 = vector.shape_cast %broadcast_in_dim3A_5 : vector<16xf32> to vector<1x16xf32>
      tpu.vector_store %arg8[%swap3A_86, %swap3A_87], %swap3A_90 {strides = array<i32>} : memref<16x256xf32, #tpu.memory_space<vmem>>, vector<1x16xf32>,
      %swap3A_91 = arith.constant 11 : i32
      %swap3A_92 = arith.index_cast %swap3A_91 : i32 to index
      %swap3A_93 = arith.index_cast %multiple_of3A_25 : i32 to index
      %swap3A_94 = tpu.vector_load %arg8[%swap3A_92, %swap3A_93] {strides = array<i32>} : memref<16x256xf32, #tpu.memory_space<vmem>>, vector<1x16xf32>,
      %swap3A_95 = vector.shape_cast %swap3A_94 : vector<1x16xf32> to vector<16xf32>
      %swap3A_96 = vector.shape_cast %broadcast_in_dim3A_5 : vector<16xf32> to vector<1x16xf32>
      tpu.vector_store %arg8[%swap3A_92, %swap3A_93], %swap3A_96 {strides = array<i32>} : memref<16x256xf32, #tpu.memory_space<vmem>>, vector<1x16xf32>,
      %swap3A_97 = arith.constant 12 : i32
      %swap3A_98 = arith.index_cast %swap3A_97 : i32 to index
      %swap3A_99 = arith.index_cast %multiple_of3A_25 : i32 to index
      %swap3A_100 = tpu.vector_load %arg8[%swap3A_98, %swap3A_99] {strides = array<i32>} : memref<16x256xf32, #tpu.memory_space<vmem>>, vector<1x16xf32>,
      %swap3A_101 = vector.shape_cast %swap3A_100 : vector<1x16xf32> to vector<16xf32>
      %swap3A_102 = vector.shape_cast %broadcast_in_dim3A_5 : vector<16xf32> to vector<1x16xf32>
      tpu.vector_store %arg8[%swap3A_98, %swap3A_99], %swap3A_102 {strides = array<i32>} : memref<16x256xf32, #tpu.memory_space<vmem>>, vector<1x16xf32>,
      %swap3A_103 = arith.constant 13 : i32
      %swap3A_104 = arith.index_cast %swap3A_103 : i32 to index
      %swap3A_105 = arith.index_cast %multiple_of3A_25 : i32 to index
      %swap3A_106 = tpu.vector_load %arg8[%swap3A_104, %swap3A_105] {strides = array<i32>} : memref<16x256xf32, #tpu.memory_space<vmem>>, vector<1x16xf32>,
      %swap3A_107 = vector.shape_cast %swap3A_106 : vector<1x16xf32> to vector<16xf32>
      %swap3A_108 = vector.shape_cast %broadcast_in_dim3A_5 : vector<16xf32> to vector<1x16xf32>
      tpu.vector_store %arg8[%swap3A_104, %swap3A_105], %swap3A_108 {strides = array<i32>} : memref<16x256xf32, #tpu.memory_space<vmem>>, vector<1x16xf32>,
      %swap3A_109 = arith.constant 14 : i32
      %swap3A_110 = arith.index_cast %swap3A_109 : i32 to index
      %swap3A_111 = arith.index_cast %multiple_of3A_25 : i32 to index
      %swap3A_112 = tpu.vector_load %arg8[%swap3A_110, %swap3A_111] {strides = array<i32>} : memref<16x256xf32, #tpu.memory_space<vmem>>, vector<1x16xf32>,
      %swap3A_113 = vector.shape_cast %swap3A_112 : vector<1x16xf32> to vector<16xf32>
      %swap3A_114 = vector.shape_cast %broadcast_in_dim3A_5 : vector<16xf32> to vector<1x16xf32>
      tpu.vector_store %arg8[%swap3A_110, %swap3A_111], %swap3A_114 {strides = array<i32>} : memref<16x256xf32, #tpu.memory_space<vmem>>, vector<1x16xf32>,
      %swap3A_115 = arith.constant 15 : i32
      %swap3A_116 = arith.index_cast %swap3A_115 : i32 to index
      %swap3A_117 = arith.index_cast %multiple_of3A_25 : i32 to index
      %swap3A_118 = tpu.vector_load %arg8[%swap3A_116, %swap3A_117] {strides = array<i32>} : memref<16x256xf32, #tpu.memory_space<vmem>>, vector<1x16xf32>,
      %swap3A_119 = vector.shape_cast %swap3A_118 : vector<1x16xf32> to vector<16xf32>
      %swap3A_120 = vector.shape_cast %broadcast_in_dim3A_5 : vector<16xf32> to vector<1x16xf32>
      tpu.vector_store %arg8[%swap3A_116, %swap3A_117], %swap3A_120 {strides = array<i32>} : memref<16x256xf32, #tpu.memory_space<vmem>>, vector<1x16xf32>,
    }
    %scan3A_10 = arith.constant 16 : i32
    "tpu.region"() ({
      %run_scoped3A = tpu.sem_alloc : memref<!tpu.dma_semaphore, #tpu.memory_space<semaphore_mem>>
      %dma_start3A_22 = arith.constant 0 : i32
      %dma_start3A_23 = tpu.memref_slice %arg7[%dma_start3A_22] : memref<528xi32, #tpu.memory_space<vmem>> -> memref<512xi32, #tpu.memory_space<vmem>>
      %dma_start3A_24 = tpu.memref_slice %arg3[%add3A_4] : memref<32768xi32, #tpu.memory_space<hbm>> -> memref<512xi32, #tpu.memory_space<hbm>>
      %dma_start3A_25 = arith.constant 0 : i32
      %dma_start3A_26 = tpu.memref_slice %arg7[%dma_start3A_25] : memref<528xi32, #tpu.memory_space<vmem>> -> memref<512xi32, #tpu.memory_space<vmem>>
      %dma_start3A_27 = tpu.memref_slice %arg3[%add3A_4] : memref<32768xi32, #tpu.memory_space<hbm>> -> memref<512xi32, #tpu.memory_space<hbm>>
      tpu.enqueue_dma source(%dma_start3A_27 : memref<512xi32, #tpu.memory_space<hbm>>) target(%dma_start3A_26 : memref<512xi32, #tpu.memory_space<vmem>>) target_semaphore(%run_scoped3A : memref<!tpu.dma_semaphore, #tpu.memory_space<semaphore_mem>>)
      %dma_wait3A = arith.constant 0 : i32
      %dma_wait3A_28 = tpu.memref_slice %arg7[%dma_wait3A] : memref<528xi32, #tpu.memory_space<vmem>> -> memref<512xi32, #tpu.memory_space<vmem>>
      %dma_wait3A_29 = tpu.memref_slice %arg3[%add3A_4] : memref<32768xi32, #tpu.memory_space<hbm>> -> memref<512xi32, #tpu.memory_space<hbm>>
      %dma_wait3A_30 = arith.constant 0 : i32
      %dma_wait3A_31 = tpu.memref_slice %arg7[%dma_wait3A_30] : memref<528xi32, #tpu.memory_space<vmem>> -> memref<512xi32, #tpu.memory_space<vmem>>
      %dma_wait3A_32 = tpu.memref_slice %arg3[%add3A_4] : memref<32768xi32, #tpu.memory_space<hbm>> -> memref<512xi32, #tpu.memory_space<hbm>>
      tpu.wait_dma2 semaphore(%run_scoped3A : memref<!tpu.dma_semaphore, #tpu.memory_space<semaphore_mem>>) src(%dma_wait3A_32 : memref<512xi32, #tpu.memory_space<hbm>>) dst(%dma_wait3A_31 : memref<512xi32, #tpu.memory_space<vmem>>)
      tpu.yield
    }) : () -> ()
    %add3A_11 = arith.constant 0 : i32
    %add3A_12 = arith.addi %add3A_4, %add3A_11 : i32
    %multiple_of3A = tpu.assume_multiple %add3A_12, 64 : i32
    %dma_start3A = arith.constant 0 : i32
    %dma_start3A_13 = tpu.memref_slice %arg2[%multiple_of3A, %dma_start3A] : memref<32768x256xf32, #tpu.memory_space<hbm>> -> memref<64x256xf32, #tpu.memory_space<hbm>>
    %dma_start3A_14 = arith.constant 0 : i32
    %dma_start3A_15 = tpu.memref_slice %arg2[%multiple_of3A, %dma_start3A_14] : memref<32768x256xf32, #tpu.memory_space<hbm>> -> memref<64x256xf32, #tpu.memory_space<hbm>>
    tpu.enqueue_dma source(%dma_start3A_15 : memref<64x256xf32, #tpu.memory_space<hbm>>) target(%arg5 : memref<64x256xf32, #tpu.memory_space<vmem>>) target_semaphore(%arg9 : memref<!tpu.dma_semaphore, #tpu.memory_space<semaphore_mem>>)
    %scan3A_16 = arith.constant 0 : i32
    %scan3A_17 = arith.constant 0 : i32
    %scan3A_18 = arith.constant 4 : i32
    %scan3A_19 = arith.addi %scan3A_17, %scan3A_18 : i32
    %scan3A_20 = arith.constant 1 : i32
    scf.for %scan3A_22 = %scan3A_17 to %scan3A_19 step %scan3A_20  : i32 {
      %mul3A_23 = arith.constant 2 : i32
      %mul3A_24 = arith.muli %scan3A_22, %mul3A_23 : i32
      %multiple_of3A_25 = tpu.assume_multiple %mul3A_24, 2 : i32
      %add3A_26 = arith.constant 1 : i32
      %add3A_27 = arith.addi %multiple_of3A_25, %add3A_26 : i32
      %mul3A_28 = arith.constant 64 : i32
      %mul3A_29 = arith.muli %add3A_27, %mul3A_28 : i32
      %add3A_30 = arith.addi %add3A_4, %mul3A_29 : i32
      %multiple_of3A_31 = tpu.assume_multiple %add3A_30, 64 : i32
      %dma_start3A_32 = arith.constant 0 : i32
      %dma_start3A_33 = tpu.memref_slice %arg2[%multiple_of3A_31, %dma_start3A_32] : memref<32768x256xf32, #tpu.memory_space<hbm>> -> memref<64x256xf32, #tpu.memory_space<hbm>>
      %dma_start3A_34 = arith.constant 0 : i32
      %dma_start3A_35 = tpu.memref_slice %arg2[%multiple_of3A_31, %dma_start3A_34] : memref<32768x256xf32, #tpu.memory_space<hbm>> -> memref<64x256xf32, #tpu.memory_space<hbm>>
      tpu.enqueue_dma source(%dma_start3A_35 : memref<64x256xf32, #tpu.memory_space<hbm>>) target(%arg6 : memref<64x256xf32, #tpu.memory_space<vmem>>) target_semaphore(%arg10 : memref<!tpu.dma_semaphore, #tpu.memory_space<semaphore_mem>>)
      %add3A_36 = arith.constant 0 : i32
      %add3A_37 = arith.addi %add3A_4, %add3A_36 : i32
      %multiple_of3A_38 = tpu.assume_multiple %add3A_37, 64 : i32
      %dma_wait3A = arith.constant 0 : i32
      %dma_wait3A_39 = tpu.memref_slice %arg2[%multiple_of3A_38, %dma_wait3A] : memref<32768x256xf32, #tpu.memory_space<hbm>> -> memref<64x256xf32, #tpu.memory_space<hbm>>
      %dma_wait3A_40 = arith.constant 0 : i32
      %dma_wait3A_41 = tpu.memref_slice %arg2[%multiple_of3A_38, %dma_wait3A_40] : memref<32768x256xf32, #tpu.memory_space<hbm>> -> memref<64x256xf32, #tpu.memory_space<hbm>>
      tpu.wait_dma2 semaphore(%arg9 : memref<!tpu.dma_semaphore, #tpu.memory_space<semaphore_mem>>) src(%dma_wait3A_41 : memref<64x256xf32, #tpu.memory_space<hbm>>) dst(%arg5 : memref<64x256xf32, #tpu.memory_space<vmem>>)
      %scan3A_42 = arith.constant 0 : i32
      %scan3A_43 = arith.constant 0 : i32
      %scan3A_44 = arith.constant 4 : i32
      %scan3A_45 = arith.addi %scan3A_43, %scan3A_44 : i32
      %scan3A_46 = arith.constant 1 : i32
      scf.for %scan3A_67 = %scan3A_43 to %scan3A_45 step %scan3A_46  : i32 {
        %mul3A_68 = arith.constant 16 : i32
        %mul3A_69 = arith.muli %scan3A_67, %mul3A_68 : i32
        %multiple_of3A_70 = tpu.assume_multiple %mul3A_69, 16 : i32
        %mul3A_71 = arith.constant 64 : i32
        %mul3A_72 = arith.muli %multiple_of3A_25, %mul3A_71 : i32
        %add3A_73 = arith.addi %mul3A_72, %multiple_of3A_70 : i32
        %multiple_of3A_74 = tpu.assume_multiple %add3A_73, 16 : i32
        %get3A = arith.index_cast %multiple_of3A_74 : i32 to index
        %get3A_75 = tpu.vector_load %arg7[%get3A] {strides = array<i32>} : memref<528xi32, #tpu.memory_space<vmem>>, vector<16xi32>,
        %get3A_76 = vector.shape_cast %get3A_75 : vector<16xi32> to vector<16xi32>
        %slice3A = vector.extract_strided_slice %get3A_76 {offsets = [0], sizes = [1], strides = [1]} : vector<16xi32> to vector<1xi32>
        %squeeze3A = vector.extract %slice3A[0] : i32 from vector<1xi32>
        %slice3A_77 = vector.extract_strided_slice %get3A_76 {offsets = [15], sizes = [1], strides = [1]} : vector<16xi32> to vector<1xi32>
        %squeeze3A_78 = vector.extract %slice3A_77[0] : i32 from vector<1xi32>
        %eq3A = arith.cmpi eq, %squeeze3A, %squeeze3A_78 : i32
        %convert_element_type3A_79 = arith.extui %eq3A : i1 to i32
        %cond3A_80 = arith.constant 0 : i32
        %cond3A_81 = arith.cmpi ne, %convert_element_type3A_79, %cond3A_80 : i32
        scf.if %cond3A_81 {
          %scan3A_85 = arith.constant 0 : i32
          %scan3A_86 = arith.constant 0 : i32
          %scan3A_87 = arith.constant 16 : i32
          %scan3A_88 = arith.addi %scan3A_86, %scan3A_87 : i32
          %scan3A_89 = arith.constant 1 : i32
          scf.for %scan3A_91 = %scan3A_86 to %scan3A_88 step %scan3A_89  : i32 {
            %mul3A_92 = arith.constant 16 : i32
            %mul3A_93 = arith.muli %scan3A_91, %mul3A_92 : i32
            %multiple_of3A_94 = tpu.assume_multiple %mul3A_93, 16 : i32
            %get3A_95 = arith.index_cast %squeeze3A : i32 to index
            %get3A_96 = arith.index_cast %multiple_of3A_94 : i32 to index
            %get3A_97 = tpu.vector_load %arg8[%get3A_95, %get3A_96] {strides = array<i32>} : memref<16x256xf32, #tpu.memory_space<vmem>>, vector<1x16xf32>,
            %get3A_98 = vector.shape_cast %get3A_97 : vector<1x16xf32> to vector<16xf32>
            %add3A_99 = arith.constant 0 : i32
            %add3A_100 = arith.addi %multiple_of3A_70, %add3A_99 : i32
            %get3A_101 = arith.index_cast %add3A_100 : i32 to index
            %get3A_102 = arith.index_cast %multiple_of3A_94 : i32 to index
            %get3A_103 = tpu.vector_load %arg5[%get3A_101, %get3A_102] {strides = array<i32>} : memref<64x256xf32, #tpu.memory_space<vmem>>, vector<1x16xf32>,
            %get3A_104 = vector.shape_cast %get3A_103 : vector<1x16xf32> to vector<16xf32>
            %max3A = arith.maximumf %get3A_98, %get3A_104 : vector<16xf32>
            %add3A_105 = arith.constant 1 : i32
            %add3A_106 = arith.addi %multiple_of3A_70, %add3A_105 : i32
            %get3A_107 = arith.index_cast %add3A_106 : i32 to index
            %get3A_108 = arith.index_cast %multiple_of3A_94 : i32 to index
            %get3A_109 = tpu.vector_load %arg5[%get3A_107, %get3A_108] {strides = array<i32>} : memref<64x256xf32, #tpu.memory_space<vmem>>, vector<1x16xf32>,
            %get3A_110 = vector.shape_cast %get3A_109 : vector<1x16xf32> to vector<16xf32>
            %max3A_111 = arith.maximumf %max3A, %get3A_110 : vector<16xf32>
            %add3A_112 = arith.constant 2 : i32
            %add3A_113 = arith.addi %multiple_of3A_70, %add3A_112 : i32
            %get3A_114 = arith.index_cast %add3A_113 : i32 to index
            %get3A_115 = arith.index_cast %multiple_of3A_94 : i32 to index
            %get3A_116 = tpu.vector_load %arg5[%get3A_114, %get3A_115] {strides = array<i32>} : memref<64x256xf32, #tpu.memory_space<vmem>>, vector<1x16xf32>,
            %get3A_117 = vector.shape_cast %get3A_116 : vector<1x16xf32> to vector<16xf32>
            %max3A_118 = arith.maximumf %max3A_111, %get3A_117 : vector<16xf32>
            %add3A_119 = arith.constant 3 : i32
            %add3A_120 = arith.addi %multiple_of3A_70, %add3A_119 : i32
            %get3A_121 = arith.index_cast %add3A_120 : i32 to index
            %get3A_122 = arith.index_cast %multiple_of3A_94 : i32 to index
            %get3A_123 = tpu.vector_load %arg5[%get3A_121, %get3A_122] {strides = array<i32>} : memref<64x256xf32, #tpu.memory_space<vmem>>, vector<1x16xf32>,
            %get3A_124 = vector.shape_cast %get3A_123 : vector<1x16xf32> to vector<16xf32>
            %max3A_125 = arith.maximumf %max3A_118, %get3A_124 : vector<16xf32>
            %add3A_126 = arith.constant 4 : i32
            %add3A_127 = arith.addi %multiple_of3A_70, %add3A_126 : i32
            %get3A_128 = arith.index_cast %add3A_127 : i32 to index
            %get3A_129 = arith.index_cast %multiple_of3A_94 : i32 to index
            %get3A_130 = tpu.vector_load %arg5[%get3A_128, %get3A_129] {strides = array<i32>} : memref<64x256xf32, #tpu.memory_space<vmem>>, vector<1x16xf32>,
            %get3A_131 = vector.shape_cast %get3A_130 : vector<1x16xf32> to vector<16xf32>
            %max3A_132 = arith.maximumf %max3A_125, %get3A_131 : vector<16xf32>
            %add3A_133 = arith.constant 5 : i32
            %add3A_134 = arith.addi %multiple_of3A_70, %add3A_133 : i32
            %get3A_135 = arith.index_cast %add3A_134 : i32 to index
            %get3A_136 = arith.index_cast %multiple_of3A_94 : i32 to index
            %get3A_137 = tpu.vector_load %arg5[%get3A_135, %get3A_136] {strides = array<i32>} : memref<64x256xf32, #tpu.memory_space<vmem>>, vector<1x16xf32>,
            %get3A_138 = vector.shape_cast %get3A_137 : vector<1x16xf32> to vector<16xf32>
            %max3A_139 = arith.maximumf %max3A_132, %get3A_138 : vector<16xf32>
            %add3A_140 = arith.constant 6 : i32
            %add3A_141 = arith.addi %multiple_of3A_70, %add3A_140 : i32
            %get3A_142 = arith.index_cast %add3A_141 : i32 to index
            %get3A_143 = arith.index_cast %multiple_of3A_94 : i32 to index
            %get3A_144 = tpu.vector_load %arg5[%get3A_142, %get3A_143] {strides = array<i32>} : memref<64x256xf32, #tpu.memory_space<vmem>>, vector<1x16xf32>,
            %get3A_145 = vector.shape_cast %get3A_144 : vector<1x16xf32> to vector<16xf32>
            %max3A_146 = arith.maximumf %max3A_139, %get3A_145 : vector<16xf32>
            %add3A_147 = arith.constant 7 : i32
            %add3A_148 = arith.addi %multiple_of3A_70, %add3A_147 : i32
            %get3A_149 = arith.index_cast %add3A_148 : i32 to index
            %get3A_150 = arith.index_cast %multiple_of3A_94 : i32 to index
            %get3A_151 = tpu.vector_load %arg5[%get3A_149, %get3A_150] {strides = array<i32>} : memref<64x256xf32, #tpu.memory_space<vmem>>, vector<1x16xf32>,
            %get3A_152 = vector.shape_cast %get3A_151 : vector<1x16xf32> to vector<16xf32>
            %max3A_153 = arith.maximumf %max3A_146, %get3A_152 : vector<16xf32>
            %add3A_154 = arith.constant 8 : i32
            %add3A_155 = arith.addi %multiple_of3A_70, %add3A_154 : i32
            %get3A_156 = arith.index_cast %add3A_155 : i32 to index
            %get3A_157 = arith.index_cast %multiple_of3A_94 : i32 to index
            %get3A_158 = tpu.vector_load %arg5[%get3A_156, %get3A_157] {strides = array<i32>} : memref<64x256xf32, #tpu.memory_space<vmem>>, vector<1x16xf32>,
            %get3A_159 = vector.shape_cast %get3A_158 : vector<1x16xf32> to vector<16xf32>
            %max3A_160 = arith.maximumf %max3A_153, %get3A_159 : vector<16xf32>
            %add3A_161 = arith.constant 9 : i32
            %add3A_162 = arith.addi %multiple_of3A_70, %add3A_161 : i32
            %get3A_163 = arith.index_cast %add3A_162 : i32 to index
            %get3A_164 = arith.index_cast %multiple_of3A_94 : i32 to index
            %get3A_165 = tpu.vector_load %arg5[%get3A_163, %get3A_164] {strides = array<i32>} : memref<64x256xf32, #tpu.memory_space<vmem>>, vector<1x16xf32>,
            %get3A_166 = vector.shape_cast %get3A_165 : vector<1x16xf32> to vector<16xf32>
            %max3A_167 = arith.maximumf %max3A_160, %get3A_166 : vector<16xf32>
            %add3A_168 = arith.constant 10 : i32
            %add3A_169 = arith.addi %multiple_of3A_70, %add3A_168 : i32
            %get3A_170 = arith.index_cast %add3A_169 : i32 to index
            %get3A_171 = arith.index_cast %multiple_of3A_94 : i32 to index
            %get3A_172 = tpu.vector_load %arg5[%get3A_170, %get3A_171] {strides = array<i32>} : memref<64x256xf32, #tpu.memory_space<vmem>>, vector<1x16xf32>,
            %get3A_173 = vector.shape_cast %get3A_172 : vector<1x16xf32> to vector<16xf32>
            %max3A_174 = arith.maximumf %max3A_167, %get3A_173 : vector<16xf32>
            %add3A_175 = arith.constant 11 : i32
            %add3A_176 = arith.addi %multiple_of3A_70, %add3A_175 : i32
            %get3A_177 = arith.index_cast %add3A_176 : i32 to index
            %get3A_178 = arith.index_cast %multiple_of3A_94 : i32 to index
            %get3A_179 = tpu.vector_load %arg5[%get3A_177, %get3A_178] {strides = array<i32>} : memref<64x256xf32, #tpu.memory_space<vmem>>, vector<1x16xf32>,
            %get3A_180 = vector.shape_cast %get3A_179 : vector<1x16xf32> to vector<16xf32>
            %max3A_181 = arith.maximumf %max3A_174, %get3A_180 : vector<16xf32>
            %add3A_182 = arith.constant 12 : i32
            %add3A_183 = arith.addi %multiple_of3A_70, %add3A_182 : i32
            %get3A_184 = arith.index_cast %add3A_183 : i32 to index
            %get3A_185 = arith.index_cast %multiple_of3A_94 : i32 to index
            %get3A_186 = tpu.vector_load %arg5[%get3A_184, %get3A_185] {strides = array<i32>} : memref<64x256xf32, #tpu.memory_space<vmem>>, vector<1x16xf32>,
            %get3A_187 = vector.shape_cast %get3A_186 : vector<1x16xf32> to vector<16xf32>
            %max3A_188 = arith.maximumf %max3A_181, %get3A_187 : vector<16xf32>
            %add3A_189 = arith.constant 13 : i32
            %add3A_190 = arith.addi %multiple_of3A_70, %add3A_189 : i32
            %get3A_191 = arith.index_cast %add3A_190 : i32 to index
            %get3A_192 = arith.index_cast %multiple_of3A_94 : i32 to index
            %get3A_193 = tpu.vector_load %arg5[%get3A_191, %get3A_192] {strides = array<i32>} : memref<64x256xf32, #tpu.memory_space<vmem>>, vector<1x16xf32>,
            %get3A_194 = vector.shape_cast %get3A_193 : vector<1x16xf32> to vector<16xf32>
            %max3A_195 = arith.maximumf %max3A_188, %get3A_194 : vector<16xf32>
            %add3A_196 = arith.constant 14 : i32
            %add3A_197 = arith.addi %multiple_of3A_70, %add3A_196 : i32
            %get3A_198 = arith.index_cast %add3A_197 : i32 to index
            %get3A_199 = arith.index_cast %multiple_of3A_94 : i32 to index
            %get3A_200 = tpu.vector_load %arg5[%get3A_198, %get3A_199] {strides = array<i32>} : memref<64x256xf32, #tpu.memory_space<vmem>>, vector<1x16xf32>,
            %get3A_201 = vector.shape_cast %get3A_200 : vector<1x16xf32> to vector<16xf32>
            %max3A_202 = arith.maximumf %max3A_195, %get3A_201 : vector<16xf32>
            %add3A_203 = arith.constant 15 : i32
            %add3A_204 = arith.addi %multiple_of3A_70, %add3A_203 : i32
            %get3A_205 = arith.index_cast %add3A_204 : i32 to index
            %get3A_206 = arith.index_cast %multiple_of3A_94 : i32 to index
            %get3A_207 = tpu.vector_load %arg5[%get3A_205, %get3A_206] {strides = array<i32>} : memref<64x256xf32, #tpu.memory_space<vmem>>, vector<1x16xf32>,
            %get3A_208 = vector.shape_cast %get3A_207 : vector<1x16xf32> to vector<16xf32>
            %max3A_209 = arith.maximumf %max3A_202, %get3A_208 : vector<16xf32>
            %swap3A = arith.index_cast %squeeze3A : i32 to index
            %swap3A_210 = arith.index_cast %multiple_of3A_94 : i32 to index
            %swap3A_211 = tpu.vector_load %arg8[%swap3A, %swap3A_210] {strides = array<i32>} : memref<16x256xf32, #tpu.memory_space<vmem>>, vector<1x16xf32>,
            %swap3A_212 = vector.shape_cast %swap3A_211 : vector<1x16xf32> to vector<16xf32>
            %swap3A_213 = vector.shape_cast %max3A_209 : vector<16xf32> to vector<1x16xf32>
            tpu.vector_store %arg8[%swap3A, %swap3A_210], %swap3A_213 {strides = array<i32>} : memref<16x256xf32, #tpu.memory_space<vmem>>, vector<1x16xf32>,
          }
          %scan3A_90 = arith.constant 16 : i32
        } else {
        }
        %ne3A = arith.cmpi ne, %squeeze3A, %squeeze3A_78 : i32
        %convert_element_type3A_82 = arith.extui %ne3A : i1 to i32
        %cond3A_83 = arith.constant 0 : i32
        %cond3A_84 = arith.cmpi ne, %convert_element_type3A_82, %cond3A_83 : i32
        scf.if %cond3A_84 {
          %scan3A_85 = arith.constant 0 : i32
          %scan3A_86 = arith.constant 0 : i32
          %scan3A_87 = arith.constant 16 : i32
          %scan3A_88 = arith.addi %scan3A_86, %scan3A_87 : i32
          %scan3A_89 = arith.constant 1 : i32
          scf.for %scan3A_91 = %scan3A_86 to %scan3A_88 step %scan3A_89  : i32 {
            %add3A_92 = arith.addi %add3A_73, %scan3A_91 : i32
            %get3A_93 = arith.index_cast %add3A_92 : i32 to index
            %get3A_94 = tpu.vector_load %arg7[%get3A_93] {strides = array<i32>} : memref<528xi32, #tpu.memory_space<vmem>>, vector<16xi32>,
            %get3A_95 = vector.shape_cast %get3A_94 : vector<16xi32> to vector<16xi32>
            %slice3A_96 = vector.extract_strided_slice %get3A_95 {offsets = [0], sizes = [1], strides = [1]} : vector<16xi32> to vector<1xi32>
            %squeeze3A_97 = vector.extract %slice3A_96[0] : i32 from vector<1xi32>
            %scan3A_98 = arith.constant 0 : i32
            %scan3A_99 = arith.constant 0 : i32
            %scan3A_100 = arith.constant 16 : i32
            %scan3A_101 = arith.addi %scan3A_99, %scan3A_100 : i32
            %scan3A_102 = arith.constant 1 : i32
            scf.for %scan3A_104 = %scan3A_99 to %scan3A_101 step %scan3A_102  : i32 {
              %mul3A_105 = arith.constant 16 : i32
              %mul3A_106 = arith.muli %scan3A_104, %mul3A_105 : i32
              %multiple_of3A_107 = tpu.assume_multiple %mul3A_106, 16 : i32
              %get3A_108 = arith.index_cast %squeeze3A_97 : i32 to index
              %get3A_109 = arith.index_cast %multiple_of3A_107 : i32 to index
              %get3A_110 = tpu.vector_load %arg8[%get3A_108, %get3A_109] {strides = array<i32>} : memref<16x256xf32, #tpu.memory_space<vmem>>, vector<1x16xf32>,
              %get3A_111 = vector.shape_cast %get3A_110 : vector<1x16xf32> to vector<16xf32>
              %add3A_112 = arith.addi %multiple_of3A_70, %scan3A_91 : i32
              %get3A_113 = arith.index_cast %add3A_112 : i32 to index
              %get3A_114 = arith.index_cast %multiple_of3A_107 : i32 to index
              %get3A_115 = tpu.vector_load %arg5[%get3A_113, %get3A_114] {strides = array<i32>} : memref<64x256xf32, #tpu.memory_space<vmem>>, vector<1x16xf32>,
              %get3A_116 = vector.shape_cast %get3A_115 : vector<1x16xf32> to vector<16xf32>
              %max3A = arith.maximumf %get3A_111, %get3A_116 : vector<16xf32>
              %swap3A = arith.index_cast %squeeze3A_97 : i32 to index
              %swap3A_117 = arith.index_cast %multiple_of3A_107 : i32 to index
              %swap3A_118 = tpu.vector_load %arg8[%swap3A, %swap3A_117] {strides = array<i32>} : memref<16x256xf32, #tpu.memory_space<vmem>>, vector<1x16xf32>,
              %swap3A_119 = vector.shape_cast %swap3A_118 : vector<1x16xf32> to vector<16xf32>
              %swap3A_120 = vector.shape_cast %max3A : vector<16xf32> to vector<1x16xf32>
              tpu.vector_store %arg8[%swap3A, %swap3A_117], %swap3A_120 {strides = array<i32>} : memref<16x256xf32, #tpu.memory_space<vmem>>, vector<1x16xf32>,
            }
            %scan3A_103 = arith.constant 16 : i32
          }
          %scan3A_90 = arith.constant 16 : i32
        } else {
        }
      }
      %scan3A_47 = arith.constant 4 : i32
      %add3A_48 = arith.constant 2 : i32
      %add3A_49 = arith.addi %multiple_of3A_25, %add3A_48 : i32
      %lt3A = arith.constant 8 : i32
      %lt3A_50 = arith.cmpi slt, %add3A_49, %lt3A : i32
      %convert_element_type3A = arith.extui %lt3A_50 : i1 to i32
      %cond3A = arith.constant 0 : i32
      %cond3A_51 = arith.cmpi ne, %convert_element_type3A, %cond3A : i32
      scf.if %cond3A_51 {
        %add3A_67 = arith.constant 2 : i32
        %add3A_68 = arith.addi %multiple_of3A_25, %add3A_67 : i32
        %mul3A_69 = arith.constant 64 : i32
        %mul3A_70 = arith.muli %add3A_68, %mul3A_69 : i32
        %add3A_71 = arith.addi %add3A_4, %mul3A_70 : i32
        %multiple_of3A_72 = tpu.assume_multiple %add3A_71, 64 : i32
        %dma_start3A_73 = arith.constant 0 : i32
        %dma_start3A_74 = tpu.memref_slice %arg2[%multiple_of3A_72, %dma_start3A_73] : memref<32768x256xf32, #tpu.memory_space<hbm>> -> memref<64x256xf32, #tpu.memory_space<hbm>>
        %dma_start3A_75 = arith.constant 0 : i32
        %dma_start3A_76 = tpu.memref_slice %arg2[%multiple_of3A_72, %dma_start3A_75] : memref<32768x256xf32, #tpu.memory_space<hbm>> -> memref<64x256xf32, #tpu.memory_space<hbm>>
        tpu.enqueue_dma source(%dma_start3A_76 : memref<64x256xf32, #tpu.memory_space<hbm>>) target(%arg5 : memref<64x256xf32, #tpu.memory_space<vmem>>) target_semaphore(%arg9 : memref<!tpu.dma_semaphore, #tpu.memory_space<semaphore_mem>>)
      } else {
      }
      %add3A_52 = arith.constant 0 : i32
      %add3A_53 = arith.addi %add3A_4, %add3A_52 : i32
      %multiple_of3A_54 = tpu.assume_multiple %add3A_53, 64 : i32
      %dma_wait3A_55 = arith.constant 0 : i32
      %dma_wait3A_56 = tpu.memref_slice %arg2[%multiple_of3A_54, %dma_wait3A_55] : memref<32768x256xf32, #tpu.memory_space<hbm>> -> memref<64x256xf32, #tpu.memory_space<hbm>>
      %dma_wait3A_57 = arith.constant 0 : i32
      %dma_wait3A_58 = tpu.memref_slice %arg2[%multiple_of3A_54, %dma_wait3A_57] : memref<32768x256xf32, #tpu.memory_space<hbm>> -> memref<64x256xf32, #tpu.memory_space<hbm>>
      tpu.wait_dma2 semaphore(%arg10 : memref<!tpu.dma_semaphore, #tpu.memory_space<semaphore_mem>>) src(%dma_wait3A_58 : memref<64x256xf32, #tpu.memory_space<hbm>>) dst(%arg6 : memref<64x256xf32, #tpu.memory_space<vmem>>)
      %add3A_59 = arith.constant 1 : i32
      %add3A_60 = arith.addi %multiple_of3A_25, %add3A_59 : i32
      %scan3A_61 = arith.constant 0 : i32
      %scan3A_62 = arith.constant 0 : i32
      %scan3A_63 = arith.constant 4 : i32
      %scan3A_64 = arith.addi %scan3A_62, %scan3A_63 : i32
      %scan3A_65 = arith.constant 1 : i32
      scf.for %scan3A_67 = %scan3A_62 to %scan3A_64 step %scan3A_65  : i32 {
        %mul3A_68 = arith.constant 16 : i32
        %mul3A_69 = arith.muli %scan3A_67, %mul3A_68 : i32
        %multiple_of3A_70 = tpu.assume_multiple %mul3A_69, 16 : i32
        %mul3A_71 = arith.constant 64 : i32
        %mul3A_72 = arith.muli %add3A_60, %mul3A_71 : i32
        %add3A_73 = arith.addi %mul3A_72, %multiple_of3A_70 : i32
        %multiple_of3A_74 = tpu.assume_multiple %add3A_73, 16 : i32
        %get3A = arith.index_cast %multiple_of3A_74 : i32 to index
        %get3A_75 = tpu.vector_load %arg7[%get3A] {strides = array<i32>} : memref<528xi32, #tpu.memory_space<vmem>>, vector<16xi32>,
        %get3A_76 = vector.shape_cast %get3A_75 : vector<16xi32> to vector<16xi32>
        %slice3A = vector.extract_strided_slice %get3A_76 {offsets = [0], sizes = [1], strides = [1]} : vector<16xi32> to vector<1xi32>
        %squeeze3A = vector.extract %slice3A[0] : i32 from vector<1xi32>
        %slice3A_77 = vector.extract_strided_slice %get3A_76 {offsets = [15], sizes = [1], strides = [1]} : vector<16xi32> to vector<1xi32>
        %squeeze3A_78 = vector.extract %slice3A_77[0] : i32 from vector<1xi32>
        %eq3A = arith.cmpi eq, %squeeze3A, %squeeze3A_78 : i32
        %convert_element_type3A_79 = arith.extui %eq3A : i1 to i32
        %cond3A_80 = arith.constant 0 : i32
        %cond3A_81 = arith.cmpi ne, %convert_element_type3A_79, %cond3A_80 : i32
        scf.if %cond3A_81 {
          %scan3A_85 = arith.constant 0 : i32
          %scan3A_86 = arith.constant 0 : i32
          %scan3A_87 = arith.constant 16 : i32
          %scan3A_88 = arith.addi %scan3A_86, %scan3A_87 : i32
          %scan3A_89 = arith.constant 1 : i32
          scf.for %scan3A_91 = %scan3A_86 to %scan3A_88 step %scan3A_89  : i32 {
            %mul3A_92 = arith.constant 16 : i32
            %mul3A_93 = arith.muli %scan3A_91, %mul3A_92 : i32
            %multiple_of3A_94 = tpu.assume_multiple %mul3A_93, 16 : i32
            %get3A_95 = arith.index_cast %squeeze3A : i32 to index
            %get3A_96 = arith.index_cast %multiple_of3A_94 : i32 to index
            %get3A_97 = tpu.vector_load %arg8[%get3A_95, %get3A_96] {strides = array<i32>} : memref<16x256xf32, #tpu.memory_space<vmem>>, vector<1x16xf32>,
            %get3A_98 = vector.shape_cast %get3A_97 : vector<1x16xf32> to vector<16xf32>
            %add3A_99 = arith.constant 0 : i32
            %add3A_100 = arith.addi %multiple_of3A_70, %add3A_99 : i32
            %get3A_101 = arith.index_cast %add3A_100 : i32 to index
            %get3A_102 = arith.index_cast %multiple_of3A_94 : i32 to index
            %get3A_103 = tpu.vector_load %arg6[%get3A_101, %get3A_102] {strides = array<i32>} : memref<64x256xf32, #tpu.memory_space<vmem>>, vector<1x16xf32>,
            %get3A_104 = vector.shape_cast %get3A_103 : vector<1x16xf32> to vector<16xf32>
            %max3A = arith.maximumf %get3A_98, %get3A_104 : vector<16xf32>
            %add3A_105 = arith.constant 1 : i32
            %add3A_106 = arith.addi %multiple_of3A_70, %add3A_105 : i32
            %get3A_107 = arith.index_cast %add3A_106 : i32 to index
            %get3A_108 = arith.index_cast %multiple_of3A_94 : i32 to index
            %get3A_109 = tpu.vector_load %arg6[%get3A_107, %get3A_108] {strides = array<i32>} : memref<64x256xf32, #tpu.memory_space<vmem>>, vector<1x16xf32>,
            %get3A_110 = vector.shape_cast %get3A_109 : vector<1x16xf32> to vector<16xf32>
            %max3A_111 = arith.maximumf %max3A, %get3A_110 : vector<16xf32>
            %add3A_112 = arith.constant 2 : i32
            %add3A_113 = arith.addi %multiple_of3A_70, %add3A_112 : i32
            %get3A_114 = arith.index_cast %add3A_113 : i32 to index
            %get3A_115 = arith.index_cast %multiple_of3A_94 : i32 to index
            %get3A_116 = tpu.vector_load %arg6[%get3A_114, %get3A_115] {strides = array<i32>} : memref<64x256xf32, #tpu.memory_space<vmem>>, vector<1x16xf32>,
            %get3A_117 = vector.shape_cast %get3A_116 : vector<1x16xf32> to vector<16xf32>
            %max3A_118 = arith.maximumf %max3A_111, %get3A_117 : vector<16xf32>
            %add3A_119 = arith.constant 3 : i32
            %add3A_120 = arith.addi %multiple_of3A_70, %add3A_119 : i32
            %get3A_121 = arith.index_cast %add3A_120 : i32 to index
            %get3A_122 = arith.index_cast %multiple_of3A_94 : i32 to index
            %get3A_123 = tpu.vector_load %arg6[%get3A_121, %get3A_122] {strides = array<i32>} : memref<64x256xf32, #tpu.memory_space<vmem>>, vector<1x16xf32>,
            %get3A_124 = vector.shape_cast %get3A_123 : vector<1x16xf32> to vector<16xf32>
            %max3A_125 = arith.maximumf %max3A_118, %get3A_124 : vector<16xf32>
            %add3A_126 = arith.constant 4 : i32
            %add3A_127 = arith.addi %multiple_of3A_70, %add3A_126 : i32
            %get3A_128 = arith.index_cast %add3A_127 : i32 to index
            %get3A_129 = arith.index_cast %multiple_of3A_94 : i32 to index
            %get3A_130 = tpu.vector_load %arg6[%get3A_128, %get3A_129] {strides = array<i32>} : memref<64x256xf32, #tpu.memory_space<vmem>>, vector<1x16xf32>,
            %get3A_131 = vector.shape_cast %get3A_130 : vector<1x16xf32> to vector<16xf32>
            %max3A_132 = arith.maximumf %max3A_125, %get3A_131 : vector<16xf32>
            %add3A_133 = arith.constant 5 : i32
            %add3A_134 = arith.addi %multiple_of3A_70, %add3A_133 : i32
            %get3A_135 = arith.index_cast %add3A_134 : i32 to index
            %get3A_136 = arith.index_cast %multiple_of3A_94 : i32 to index
            %get3A_137 = tpu.vector_load %arg6[%get3A_135, %get3A_136] {strides = array<i32>} : memref<64x256xf32, #tpu.memory_space<vmem>>, vector<1x16xf32>,
            %get3A_138 = vector.shape_cast %get3A_137 : vector<1x16xf32> to vector<16xf32>
            %max3A_139 = arith.maximumf %max3A_132, %get3A_138 : vector<16xf32>
            %add3A_140 = arith.constant 6 : i32
            %add3A_141 = arith.addi %multiple_of3A_70, %add3A_140 : i32
            %get3A_142 = arith.index_cast %add3A_141 : i32 to index
            %get3A_143 = arith.index_cast %multiple_of3A_94 : i32 to index
            %get3A_144 = tpu.vector_load %arg6[%get3A_142, %get3A_143] {strides = array<i32>} : memref<64x256xf32, #tpu.memory_space<vmem>>, vector<1x16xf32>,
            %get3A_145 = vector.shape_cast %get3A_144 : vector<1x16xf32> to vector<16xf32>
            %max3A_146 = arith.maximumf %max3A_139, %get3A_145 : vector<16xf32>
            %add3A_147 = arith.constant 7 : i32
            %add3A_148 = arith.addi %multiple_of3A_70, %add3A_147 : i32
            %get3A_149 = arith.index_cast %add3A_148 : i32 to index
            %get3A_150 = arith.index_cast %multiple_of3A_94 : i32 to index
            %get3A_151 = tpu.vector_load %arg6[%get3A_149, %get3A_150] {strides = array<i32>} : memref<64x256xf32, #tpu.memory_space<vmem>>, vector<1x16xf32>,
            %get3A_152 = vector.shape_cast %get3A_151 : vector<1x16xf32> to vector<16xf32>
            %max3A_153 = arith.maximumf %max3A_146, %get3A_152 : vector<16xf32>
            %add3A_154 = arith.constant 8 : i32
            %add3A_155 = arith.addi %multiple_of3A_70, %add3A_154 : i32
            %get3A_156 = arith.index_cast %add3A_155 : i32 to index
            %get3A_157 = arith.index_cast %multiple_of3A_94 : i32 to index
            %get3A_158 = tpu.vector_load %arg6[%get3A_156, %get3A_157] {strides = array<i32>} : memref<64x256xf32, #tpu.memory_space<vmem>>, vector<1x16xf32>,
            %get3A_159 = vector.shape_cast %get3A_158 : vector<1x16xf32> to vector<16xf32>
            %max3A_160 = arith.maximumf %max3A_153, %get3A_159 : vector<16xf32>
            %add3A_161 = arith.constant 9 : i32
            %add3A_162 = arith.addi %multiple_of3A_70, %add3A_161 : i32
            %get3A_163 = arith.index_cast %add3A_162 : i32 to index
            %get3A_164 = arith.index_cast %multiple_of3A_94 : i32 to index
            %get3A_165 = tpu.vector_load %arg6[%get3A_163, %get3A_164] {strides = array<i32>} : memref<64x256xf32, #tpu.memory_space<vmem>>, vector<1x16xf32>,
            %get3A_166 = vector.shape_cast %get3A_165 : vector<1x16xf32> to vector<16xf32>
            %max3A_167 = arith.maximumf %max3A_160, %get3A_166 : vector<16xf32>
            %add3A_168 = arith.constant 10 : i32
            %add3A_169 = arith.addi %multiple_of3A_70, %add3A_168 : i32
            %get3A_170 = arith.index_cast %add3A_169 : i32 to index
            %get3A_171 = arith.index_cast %multiple_of3A_94 : i32 to index
            %get3A_172 = tpu.vector_load %arg6[%get3A_170, %get3A_171] {strides = array<i32>} : memref<64x256xf32, #tpu.memory_space<vmem>>, vector<1x16xf32>,
            %get3A_173 = vector.shape_cast %get3A_172 : vector<1x16xf32> to vector<16xf32>
            %max3A_174 = arith.maximumf %max3A_167, %get3A_173 : vector<16xf32>
            %add3A_175 = arith.constant 11 : i32
            %add3A_176 = arith.addi %multiple_of3A_70, %add3A_175 : i32
            %get3A_177 = arith.index_cast %add3A_176 : i32 to index
            %get3A_178 = arith.index_cast %multiple_of3A_94 : i32 to index
            %get3A_179 = tpu.vector_load %arg6[%get3A_177, %get3A_178] {strides = array<i32>} : memref<64x256xf32, #tpu.memory_space<vmem>>, vector<1x16xf32>,
            %get3A_180 = vector.shape_cast %get3A_179 : vector<1x16xf32> to vector<16xf32>
            %max3A_181 = arith.maximumf %max3A_174, %get3A_180 : vector<16xf32>
            %add3A_182 = arith.constant 12 : i32
            %add3A_183 = arith.addi %multiple_of3A_70, %add3A_182 : i32
            %get3A_184 = arith.index_cast %add3A_183 : i32 to index
            %get3A_185 = arith.index_cast %multiple_of3A_94 : i32 to index
            %get3A_186 = tpu.vector_load %arg6[%get3A_184, %get3A_185] {strides = array<i32>} : memref<64x256xf32, #tpu.memory_space<vmem>>, vector<1x16xf32>,
            %get3A_187 = vector.shape_cast %get3A_186 : vector<1x16xf32> to vector<16xf32>
            %max3A_188 = arith.maximumf %max3A_181, %get3A_187 : vector<16xf32>
            %add3A_189 = arith.constant 13 : i32
            %add3A_190 = arith.addi %multiple_of3A_70, %add3A_189 : i32
            %get3A_191 = arith.index_cast %add3A_190 : i32 to index
            %get3A_192 = arith.index_cast %multiple_of3A_94 : i32 to index
            %get3A_193 = tpu.vector_load %arg6[%get3A_191, %get3A_192] {strides = array<i32>} : memref<64x256xf32, #tpu.memory_space<vmem>>, vector<1x16xf32>,
            %get3A_194 = vector.shape_cast %get3A_193 : vector<1x16xf32> to vector<16xf32>
            %max3A_195 = arith.maximumf %max3A_188, %get3A_194 : vector<16xf32>
            %add3A_196 = arith.constant 14 : i32
            %add3A_197 = arith.addi %multiple_of3A_70, %add3A_196 : i32
            %get3A_198 = arith.index_cast %add3A_197 : i32 to index
            %get3A_199 = arith.index_cast %multiple_of3A_94 : i32 to index
            %get3A_200 = tpu.vector_load %arg6[%get3A_198, %get3A_199] {strides = array<i32>} : memref<64x256xf32, #tpu.memory_space<vmem>>, vector<1x16xf32>,
            %get3A_201 = vector.shape_cast %get3A_200 : vector<1x16xf32> to vector<16xf32>
            %max3A_202 = arith.maximumf %max3A_195, %get3A_201 : vector<16xf32>
            %add3A_203 = arith.constant 15 : i32
            %add3A_204 = arith.addi %multiple_of3A_70, %add3A_203 : i32
            %get3A_205 = arith.index_cast %add3A_204 : i32 to index
            %get3A_206 = arith.index_cast %multiple_of3A_94 : i32 to index
            %get3A_207 = tpu.vector_load %arg6[%get3A_205, %get3A_206] {strides = array<i32>} : memref<64x256xf32, #tpu.memory_space<vmem>>, vector<1x16xf32>,
            %get3A_208 = vector.shape_cast %get3A_207 : vector<1x16xf32> to vector<16xf32>
            %max3A_209 = arith.maximumf %max3A_202, %get3A_208 : vector<16xf32>
            %swap3A = arith.index_cast %squeeze3A : i32 to index
            %swap3A_210 = arith.index_cast %multiple_of3A_94 : i32 to index
            %swap3A_211 = tpu.vector_load %arg8[%swap3A, %swap3A_210] {strides = array<i32>} : memref<16x256xf32, #tpu.memory_space<vmem>>, vector<1x16xf32>,
            %swap3A_212 = vector.shape_cast %swap3A_211 : vector<1x16xf32> to vector<16xf32>
            %swap3A_213 = vector.shape_cast %max3A_209 : vector<16xf32> to vector<1x16xf32>
            tpu.vector_store %arg8[%swap3A, %swap3A_210], %swap3A_213 {strides = array<i32>} : memref<16x256xf32, #tpu.memory_space<vmem>>, vector<1x16xf32>,
          }
          %scan3A_90 = arith.constant 16 : i32
        } else {
        }
        %ne3A = arith.cmpi ne, %squeeze3A, %squeeze3A_78 : i32
        %convert_element_type3A_82 = arith.extui %ne3A : i1 to i32
        %cond3A_83 = arith.constant 0 : i32
        %cond3A_84 = arith.cmpi ne, %convert_element_type3A_82, %cond3A_83 : i32
        scf.if %cond3A_84 {
          %scan3A_85 = arith.constant 0 : i32
          %scan3A_86 = arith.constant 0 : i32
          %scan3A_87 = arith.constant 16 : i32
          %scan3A_88 = arith.addi %scan3A_86, %scan3A_87 : i32
          %scan3A_89 = arith.constant 1 : i32
          scf.for %scan3A_91 = %scan3A_86 to %scan3A_88 step %scan3A_89  : i32 {
            %add3A_92 = arith.addi %add3A_73, %scan3A_91 : i32
            %get3A_93 = arith.index_cast %add3A_92 : i32 to index
            %get3A_94 = tpu.vector_load %arg7[%get3A_93] {strides = array<i32>} : memref<528xi32, #tpu.memory_space<vmem>>, vector<16xi32>,
            %get3A_95 = vector.shape_cast %get3A_94 : vector<16xi32> to vector<16xi32>
            %slice3A_96 = vector.extract_strided_slice %get3A_95 {offsets = [0], sizes = [1], strides = [1]} : vector<16xi32> to vector<1xi32>
            %squeeze3A_97 = vector.extract %slice3A_96[0] : i32 from vector<1xi32>
            %scan3A_98 = arith.constant 0 : i32
            %scan3A_99 = arith.constant 0 : i32
            %scan3A_100 = arith.constant 16 : i32
            %scan3A_101 = arith.addi %scan3A_99, %scan3A_100 : i32
            %scan3A_102 = arith.constant 1 : i32
            scf.for %scan3A_104 = %scan3A_99 to %scan3A_101 step %scan3A_102  : i32 {
              %mul3A_105 = arith.constant 16 : i32
              %mul3A_106 = arith.muli %scan3A_104, %mul3A_105 : i32
              %multiple_of3A_107 = tpu.assume_multiple %mul3A_106, 16 : i32
              %get3A_108 = arith.index_cast %squeeze3A_97 : i32 to index
              %get3A_109 = arith.index_cast %multiple_of3A_107 : i32 to index
              %get3A_110 = tpu.vector_load %arg8[%get3A_108, %get3A_109] {strides = array<i32>} : memref<16x256xf32, #tpu.memory_space<vmem>>, vector<1x16xf32>,
              %get3A_111 = vector.shape_cast %get3A_110 : vector<1x16xf32> to vector<16xf32>
              %add3A_112 = arith.addi %multiple_of3A_70, %scan3A_91 : i32
              %get3A_113 = arith.index_cast %add3A_112 : i32 to index
              %get3A_114 = arith.index_cast %multiple_of3A_107 : i32 to index
              %get3A_115 = tpu.vector_load %arg6[%get3A_113, %get3A_114] {strides = array<i32>} : memref<64x256xf32, #tpu.memory_space<vmem>>, vector<1x16xf32>,
              %get3A_116 = vector.shape_cast %get3A_115 : vector<1x16xf32> to vector<16xf32>
              %max3A = arith.maximumf %get3A_111, %get3A_116 : vector<16xf32>
              %swap3A = arith.index_cast %squeeze3A_97 : i32 to index
              %swap3A_117 = arith.index_cast %multiple_of3A_107 : i32 to index
              %swap3A_118 = tpu.vector_load %arg8[%swap3A, %swap3A_117] {strides = array<i32>} : memref<16x256xf32, #tpu.memory_space<vmem>>, vector<1x16xf32>,
              %swap3A_119 = vector.shape_cast %swap3A_118 : vector<1x16xf32> to vector<16xf32>
              %swap3A_120 = vector.shape_cast %max3A : vector<16xf32> to vector<1x16xf32>
              tpu.vector_store %arg8[%swap3A, %swap3A_117], %swap3A_120 {strides = array<i32>} : memref<16x256xf32, #tpu.memory_space<vmem>>, vector<1x16xf32>,
            }
            %scan3A_103 = arith.constant 16 : i32
          }
          %scan3A_90 = arith.constant 16 : i32
        } else {
        }
      }
      %scan3A_66 = arith.constant 4 : i32
    }
    %scan3A_21 = arith.constant 4 : i32
    "tpu.region"() ({
      %run_scoped3A = tpu.sem_alloc : memref<!tpu.dma_semaphore, #tpu.memory_space<semaphore_mem>>
      %dma_start3A_22 = arith.constant 0 : i32
      %dma_start3A_23 = arith.constant 0 : i32
      %dma_start3A_24 = tpu.memref_slice %arg4[%add3A, %dma_start3A_22, %dma_start3A_23] : memref<32x16x256xf32, #tpu.memory_space<hbm>> -> memref<1x16x256xf32, #tpu.memory_space<hbm>>
      %dma_start3A_25 = tpu.memref_squeeze %dma_start3A_24 : memref<1x16x256xf32, #tpu.memory_space<hbm>> -> memref<16x256xf32, #tpu.memory_space<hbm>>
      %dma_start3A_26 = arith.constant 0 : i32
      %dma_start3A_27 = arith.constant 0 : i32
      %dma_start3A_28 = tpu.memref_slice %arg4[%add3A, %dma_start3A_26, %dma_start3A_27] : memref<32x16x256xf32, #tpu.memory_space<hbm>> -> memref<1x16x256xf32, #tpu.memory_space<hbm>>
      %dma_start3A_29 = tpu.memref_squeeze %dma_start3A_28 : memref<1x16x256xf32, #tpu.memory_space<hbm>> -> memref<16x256xf32, #tpu.memory_space<hbm>>
      tpu.enqueue_dma source(%arg8 : memref<16x256xf32, #tpu.memory_space<vmem>>) target(%dma_start3A_29 : memref<16x256xf32, #tpu.memory_space<hbm>>) target_semaphore(%run_scoped3A : memref<!tpu.dma_semaphore, #tpu.memory_space<semaphore_mem>>)
      %dma_wait3A = arith.constant 0 : i32
      %dma_wait3A_30 = arith.constant 0 : i32
      %dma_wait3A_31 = tpu.memref_slice %arg4[%add3A, %dma_wait3A, %dma_wait3A_30] : memref<32x16x256xf32, #tpu.memory_space<hbm>> -> memref<1x16x256xf32, #tpu.memory_space<hbm>>
      %dma_wait3A_32 = tpu.memref_squeeze %dma_wait3A_31 : memref<1x16x256xf32, #tpu.memory_space<hbm>> -> memref<16x256xf32, #tpu.memory_space<hbm>>
      %dma_wait3A_33 = arith.constant 0 : i32
      %dma_wait3A_34 = arith.constant 0 : i32
      %dma_wait3A_35 = tpu.memref_slice %arg4[%add3A, %dma_wait3A_33, %dma_wait3A_34] : memref<32x16x256xf32, #tpu.memory_space<hbm>> -> memref<1x16x256xf32, #tpu.memory_space<hbm>>
      %dma_wait3A_36 = tpu.memref_squeeze %dma_wait3A_35 : memref<1x16x256xf32, #tpu.memory_space<hbm>> -> memref<16x256xf32, #tpu.memory_space<hbm>>
      tpu.wait_dma2 semaphore(%run_scoped3A : memref<!tpu.dma_semaphore, #tpu.memory_space<semaphore_mem>>) src(%arg8 : memref<16x256xf32, #tpu.memory_space<vmem>>) dst(%dma_wait3A_36 : memref<16x256xf32, #tpu.memory_space<hbm>>)
      tpu.yield
    }) : () -> ()
    return
  }
}

module attributes {stable_mosaic.version = 14 : i64} {
  func.func @_combine_body(%arg0: memref<32x16x256xf32, #tpu.memory_space<vmem>>, %arg1: memref<16x256xf32, #tpu.memory_space<vmem>>, %arg2: memref<16x256xf32, #tpu.memory_space<vmem>>) attributes {dimension_semantics = [], scalar_prefetch = 0 : i64, scratch_operands = 0 : i64, tpu.core_type = #tpu.core_type<tc>} {
    %get3A = arith.constant 0 : index
    %get3A_0 = arith.constant 0 : index
    %get3A_1 = arith.constant 0 : index
    %get3A_2 = vector.load %arg0[%get3A, %get3A_0, %get3A_1] : memref<32x16x256xf32, #tpu.memory_space<vmem>>, vector<32x16x256xf32>
    %reduce_max3A = arith.constant dense<0xFF800000> : vector<16x256xf32>
    %reduce_max3A_3 = vector.multi_reduction <maximumf>, %get3A_2, %reduce_max3A [0] : vector<32x16x256xf32> to vector<16x256xf32>
    %get3A_4 = arith.constant 0 : index
    %get3A_5 = arith.constant 0 : index
    %get3A_6 = vector.load %arg1[%get3A_4, %get3A_5] : memref<16x256xf32, #tpu.memory_space<vmem>>, vector<16x256xf32>
    %max3A = arith.maximumf %reduce_max3A_3, %get3A_6 : vector<16x256xf32>
    %swap3A = arith.constant 0 : index
    %swap3A_7 = arith.constant 0 : index
    %swap3A_8 = vector.load %arg2[%swap3A, %swap3A_7] : memref<16x256xf32, #tpu.memory_space<vmem>>, vector<16x256xf32>
    tpu.vector_store %arg2[%swap3A, %swap3A_7], %max3A {strides = array<i32>} : memref<16x256xf32, #tpu.memory_space<vmem>>, vector<16x256xf32>,
    return
  }
}

module attributes {stable_mosaic.version = 14 : i64} {
  func.func @_tc_partial_body(%arg0: i32, %arg1: memref<17xi32, #tpu.memory_space<smem>>, %arg2: memref<1024x256xf32, #tpu.memory_space<vmem>>, %arg3: memref<16x256xf32, #tpu.memory_space<vmem>>) attributes {dimension_semantics = [#tpu.dimension_semantics<arbitrary>], iteration_bounds = array<i64: 16>, scalar_prefetch = 1 : i64, scratch_operands = 0 : i64, tpu.core_type = #tpu.core_type<tc>, window_params = [{transform_indices = @transform_0, window_bounds = array<i64: 1024, 256>}, {pipeline_mode = #tpu.pipeline_mode<synchronous>, transform_indices = @transform_1, window_bounds = array<i64: 16, 256>}]} {
    %eq3A = arith.constant 0 : i32
    %eq3A_0 = arith.cmpi eq, %arg0, %eq3A : i32
    %convert_element_type3A = arith.extui %eq3A_0 : i1 to i32
    %cond3A = arith.constant 0 : i32
    %cond3A_1 = arith.cmpi ne, %convert_element_type3A, %cond3A : i32
    scf.if %cond3A_1 {
      %broadcast_in_dim3A = arith.constant 0xFF800000 : f32
      %broadcast_in_dim3A_225 = vector.broadcast %broadcast_in_dim3A : f32 to vector<16x256xf32>
      %swap3A = arith.constant 0 : index
      %swap3A_226 = arith.constant 0 : index
      %swap3A_227 = vector.load %arg3[%swap3A, %swap3A_226] : memref<16x256xf32, #tpu.memory_space<vmem>>, vector<16x256xf32>
      tpu.vector_store %arg3[%swap3A, %swap3A_226], %broadcast_in_dim3A_225 {strides = array<i32>} : memref<16x256xf32, #tpu.memory_space<vmem>>, vector<16x256xf32>,
    } else {
    }
    %get3A = arith.constant 0 : index
    %get3A_2 = arith.constant 0 : index
    %get3A_3 = vector.load %arg2[%get3A, %get3A_2] : memref<1024x256xf32, #tpu.memory_space<vmem>>, vector<1024x256xf32>
    %iota3A = tpu.iota {dimensions = array<i32: 0>} : vector<1024x1xi32>
    %mul3A = arith.constant 1024 : i32
    %mul3A_4 = arith.muli %arg0, %mul3A : i32
    %get3A_5 = arith.constant 0 : index
    %get3A_6 = memref.load %arg1[%get3A_5] : memref<17xi32, #tpu.memory_space<smem>>
    %sub3A = arith.subi %get3A_6, %mul3A_4 : i32
    %max3A = arith.constant 0 : i32
    %max3A_7 = arith.maxsi %sub3A, %max3A : i32
    %get3A_8 = arith.constant 1 : index
    %get3A_9 = memref.load %arg1[%get3A_8] : memref<17xi32, #tpu.memory_space<smem>>
    %sub3A_10 = arith.subi %get3A_9, %mul3A_4 : i32
    %min3A = arith.constant 1024 : i32
    %min3A_11 = arith.minsi %sub3A_10, %min3A : i32
    %gt3A = arith.cmpi sgt, %min3A_11, %max3A_7 : i32
    %convert_element_type3A_12 = arith.extui %gt3A : i1 to i32
    %cond3A_13 = arith.constant 0 : i32
    %cond3A_14 = arith.cmpi ne, %convert_element_type3A_12, %cond3A_13 : i32
    scf.if %cond3A_14 {
      %ge3A = vector.broadcast %max3A_7 : i32 to vector<1024x1xi32>
      %ge3A_225 = arith.cmpi sge, %iota3A, %ge3A : vector<1024x1xi32>
      %lt3A = vector.broadcast %min3A_11 : i32 to vector<1024x1xi32>
      %lt3A_226 = arith.cmpi slt, %iota3A, %lt3A : vector<1024x1xi32>
      %and3A = arith.andi %ge3A_225, %lt3A_226 : vector<1024x1xi1>
      %jit3A = arith.constant 0xFF800000 : f32
      %broadcast_in_dim3A = vector.shape_cast %and3A : vector<1024x1xi1> to vector<1024x1xi1>
      %broadcast_in_dim3A_227 = vector.broadcast %broadcast_in_dim3A : vector<1024x1xi1> to vector<1024x256xi1>
      %broadcast_in_dim3A_228 = vector.broadcast %jit3A : f32 to vector<1024x256xf32>
      %select_n3A = arith.select %broadcast_in_dim3A_227, %get3A_3, %broadcast_in_dim3A_228 : vector<1024x256xi1>, vector<1024x256xf32>
      %reduce_max3A = arith.constant dense<0xFF800000> : vector<256xf32>
      %reduce_max3A_229 = vector.multi_reduction <maximumf>, %select_n3A, %reduce_max3A [0] : vector<1024x256xf32> to vector<256xf32>
      %broadcast_in_dim3A_230 = vector.shape_cast %reduce_max3A_229 : vector<256xf32> to vector<1x256xf32>
      %get3A_231 = arith.constant 0 : index
      %get3A_232 = arith.constant 0 : index
      %get3A_233 = vector.load %arg3[%get3A_231, %get3A_232] : memref<16x256xf32, #tpu.memory_space<vmem>>, vector<1x256xf32>
      %max3A_234 = arith.maximumf %get3A_233, %broadcast_in_dim3A_230 : vector<1x256xf32>
      %swap3A = arith.constant 0 : index
      %swap3A_235 = arith.constant 0 : index
      %swap3A_236 = vector.load %arg3[%swap3A, %swap3A_235] : memref<16x256xf32, #tpu.memory_space<vmem>>, vector<1x256xf32>
      tpu.vector_store %arg3[%swap3A, %swap3A_235], %max3A_234 {strides = array<i32>} : memref<16x256xf32, #tpu.memory_space<vmem>>, vector<1x256xf32>,
    } else {
    }
    %get3A_15 = arith.constant 1 : index
    %get3A_16 = memref.load %arg1[%get3A_15] : memref<17xi32, #tpu.memory_space<smem>>
    %sub3A_17 = arith.subi %get3A_16, %mul3A_4 : i32
    %max3A_18 = arith.constant 0 : i32
    %max3A_19 = arith.maxsi %sub3A_17, %max3A_18 : i32
    %get3A_20 = arith.constant 2 : index
    %get3A_21 = memref.load %arg1[%get3A_20] : memref<17xi32, #tpu.memory_space<smem>>
    %sub3A_22 = arith.subi %get3A_21, %mul3A_4 : i32
    %min3A_23 = arith.constant 1024 : i32
    %min3A_24 = arith.minsi %sub3A_22, %min3A_23 : i32
    %gt3A_25 = arith.cmpi sgt, %min3A_24, %max3A_19 : i32
    %convert_element_type3A_26 = arith.extui %gt3A_25 : i1 to i32
    %cond3A_27 = arith.constant 0 : i32
    %cond3A_28 = arith.cmpi ne, %convert_element_type3A_26, %cond3A_27 : i32
    scf.if %cond3A_28 {
      %ge3A = vector.broadcast %max3A_19 : i32 to vector<1024x1xi32>
      %ge3A_225 = arith.cmpi sge, %iota3A, %ge3A : vector<1024x1xi32>
      %lt3A = vector.broadcast %min3A_24 : i32 to vector<1024x1xi32>
      %lt3A_226 = arith.cmpi slt, %iota3A, %lt3A : vector<1024x1xi32>
      %and3A = arith.andi %ge3A_225, %lt3A_226 : vector<1024x1xi1>
      %jit3A = arith.constant 0xFF800000 : f32
      %broadcast_in_dim3A = vector.shape_cast %and3A : vector<1024x1xi1> to vector<1024x1xi1>
      %broadcast_in_dim3A_227 = vector.broadcast %broadcast_in_dim3A : vector<1024x1xi1> to vector<1024x256xi1>
      %broadcast_in_dim3A_228 = vector.broadcast %jit3A : f32 to vector<1024x256xf32>
      %select_n3A = arith.select %broadcast_in_dim3A_227, %get3A_3, %broadcast_in_dim3A_228 : vector<1024x256xi1>, vector<1024x256xf32>
      %reduce_max3A = arith.constant dense<0xFF800000> : vector<256xf32>
      %reduce_max3A_229 = vector.multi_reduction <maximumf>, %select_n3A, %reduce_max3A [0] : vector<1024x256xf32> to vector<256xf32>
      %broadcast_in_dim3A_230 = vector.shape_cast %reduce_max3A_229 : vector<256xf32> to vector<1x256xf32>
      %get3A_231 = arith.constant 1 : index
      %get3A_232 = arith.constant 0 : index
      %get3A_233 = vector.load %arg3[%get3A_231, %get3A_232] : memref<16x256xf32, #tpu.memory_space<vmem>>, vector<1x256xf32>
      %max3A_234 = arith.maximumf %get3A_233, %broadcast_in_dim3A_230 : vector<1x256xf32>
      %swap3A = arith.constant 1 : index
      %swap3A_235 = arith.constant 0 : index
      %swap3A_236 = vector.load %arg3[%swap3A, %swap3A_235] : memref<16x256xf32, #tpu.memory_space<vmem>>, vector<1x256xf32>
      tpu.vector_store %arg3[%swap3A, %swap3A_235], %max3A_234 {strides = array<i32>} : memref<16x256xf32, #tpu.memory_space<vmem>>, vector<1x256xf32>,
    } else {
    }
    %get3A_29 = arith.constant 2 : index
    %get3A_30 = memref.load %arg1[%get3A_29] : memref<17xi32, #tpu.memory_space<smem>>
    %sub3A_31 = arith.subi %get3A_30, %mul3A_4 : i32
    %max3A_32 = arith.constant 0 : i32
    %max3A_33 = arith.maxsi %sub3A_31, %max3A_32 : i32
    %get3A_34 = arith.constant 3 : index
    %get3A_35 = memref.load %arg1[%get3A_34] : memref<17xi32, #tpu.memory_space<smem>>
    %sub3A_36 = arith.subi %get3A_35, %mul3A_4 : i32
    %min3A_37 = arith.constant 1024 : i32
    %min3A_38 = arith.minsi %sub3A_36, %min3A_37 : i32
    %gt3A_39 = arith.cmpi sgt, %min3A_38, %max3A_33 : i32
    %convert_element_type3A_40 = arith.extui %gt3A_39 : i1 to i32
    %cond3A_41 = arith.constant 0 : i32
    %cond3A_42 = arith.cmpi ne, %convert_element_type3A_40, %cond3A_41 : i32
    scf.if %cond3A_42 {
      %ge3A = vector.broadcast %max3A_33 : i32 to vector<1024x1xi32>
      %ge3A_225 = arith.cmpi sge, %iota3A, %ge3A : vector<1024x1xi32>
      %lt3A = vector.broadcast %min3A_38 : i32 to vector<1024x1xi32>
      %lt3A_226 = arith.cmpi slt, %iota3A, %lt3A : vector<1024x1xi32>
      %and3A = arith.andi %ge3A_225, %lt3A_226 : vector<1024x1xi1>
      %jit3A = arith.constant 0xFF800000 : f32
      %broadcast_in_dim3A = vector.shape_cast %and3A : vector<1024x1xi1> to vector<1024x1xi1>
      %broadcast_in_dim3A_227 = vector.broadcast %broadcast_in_dim3A : vector<1024x1xi1> to vector<1024x256xi1>
      %broadcast_in_dim3A_228 = vector.broadcast %jit3A : f32 to vector<1024x256xf32>
      %select_n3A = arith.select %broadcast_in_dim3A_227, %get3A_3, %broadcast_in_dim3A_228 : vector<1024x256xi1>, vector<1024x256xf32>
      %reduce_max3A = arith.constant dense<0xFF800000> : vector<256xf32>
      %reduce_max3A_229 = vector.multi_reduction <maximumf>, %select_n3A, %reduce_max3A [0] : vector<1024x256xf32> to vector<256xf32>
      %broadcast_in_dim3A_230 = vector.shape_cast %reduce_max3A_229 : vector<256xf32> to vector<1x256xf32>
      %get3A_231 = arith.constant 2 : index
      %get3A_232 = arith.constant 0 : index
      %get3A_233 = vector.load %arg3[%get3A_231, %get3A_232] : memref<16x256xf32, #tpu.memory_space<vmem>>, vector<1x256xf32>
      %max3A_234 = arith.maximumf %get3A_233, %broadcast_in_dim3A_230 : vector<1x256xf32>
      %swap3A = arith.constant 2 : index
      %swap3A_235 = arith.constant 0 : index
      %swap3A_236 = vector.load %arg3[%swap3A, %swap3A_235] : memref<16x256xf32, #tpu.memory_space<vmem>>, vector<1x256xf32>
      tpu.vector_store %arg3[%swap3A, %swap3A_235], %max3A_234 {strides = array<i32>} : memref<16x256xf32, #tpu.memory_space<vmem>>, vector<1x256xf32>,
    } else {
    }
    %get3A_43 = arith.constant 3 : index
    %get3A_44 = memref.load %arg1[%get3A_43] : memref<17xi32, #tpu.memory_space<smem>>
    %sub3A_45 = arith.subi %get3A_44, %mul3A_4 : i32
    %max3A_46 = arith.constant 0 : i32
    %max3A_47 = arith.maxsi %sub3A_45, %max3A_46 : i32
    %get3A_48 = arith.constant 4 : index
    %get3A_49 = memref.load %arg1[%get3A_48] : memref<17xi32, #tpu.memory_space<smem>>
    %sub3A_50 = arith.subi %get3A_49, %mul3A_4 : i32
    %min3A_51 = arith.constant 1024 : i32
    %min3A_52 = arith.minsi %sub3A_50, %min3A_51 : i32
    %gt3A_53 = arith.cmpi sgt, %min3A_52, %max3A_47 : i32
    %convert_element_type3A_54 = arith.extui %gt3A_53 : i1 to i32
    %cond3A_55 = arith.constant 0 : i32
    %cond3A_56 = arith.cmpi ne, %convert_element_type3A_54, %cond3A_55 : i32
    scf.if %cond3A_56 {
      %ge3A = vector.broadcast %max3A_47 : i32 to vector<1024x1xi32>
      %ge3A_225 = arith.cmpi sge, %iota3A, %ge3A : vector<1024x1xi32>
      %lt3A = vector.broadcast %min3A_52 : i32 to vector<1024x1xi32>
      %lt3A_226 = arith.cmpi slt, %iota3A, %lt3A : vector<1024x1xi32>
      %and3A = arith.andi %ge3A_225, %lt3A_226 : vector<1024x1xi1>
      %jit3A = arith.constant 0xFF800000 : f32
      %broadcast_in_dim3A = vector.shape_cast %and3A : vector<1024x1xi1> to vector<1024x1xi1>
      %broadcast_in_dim3A_227 = vector.broadcast %broadcast_in_dim3A : vector<1024x1xi1> to vector<1024x256xi1>
      %broadcast_in_dim3A_228 = vector.broadcast %jit3A : f32 to vector<1024x256xf32>
      %select_n3A = arith.select %broadcast_in_dim3A_227, %get3A_3, %broadcast_in_dim3A_228 : vector<1024x256xi1>, vector<1024x256xf32>
      %reduce_max3A = arith.constant dense<0xFF800000> : vector<256xf32>
      %reduce_max3A_229 = vector.multi_reduction <maximumf>, %select_n3A, %reduce_max3A [0] : vector<1024x256xf32> to vector<256xf32>
      %broadcast_in_dim3A_230 = vector.shape_cast %reduce_max3A_229 : vector<256xf32> to vector<1x256xf32>
      %get3A_231 = arith.constant 3 : index
      %get3A_232 = arith.constant 0 : index
      %get3A_233 = vector.load %arg3[%get3A_231, %get3A_232] : memref<16x256xf32, #tpu.memory_space<vmem>>, vector<1x256xf32>
      %max3A_234 = arith.maximumf %get3A_233, %broadcast_in_dim3A_230 : vector<1x256xf32>
      %swap3A = arith.constant 3 : index
      %swap3A_235 = arith.constant 0 : index
      %swap3A_236 = vector.load %arg3[%swap3A, %swap3A_235] : memref<16x256xf32, #tpu.memory_space<vmem>>, vector<1x256xf32>
      tpu.vector_store %arg3[%swap3A, %swap3A_235], %max3A_234 {strides = array<i32>} : memref<16x256xf32, #tpu.memory_space<vmem>>, vector<1x256xf32>,
    } else {
    }
    %get3A_57 = arith.constant 4 : index
    %get3A_58 = memref.load %arg1[%get3A_57] : memref<17xi32, #tpu.memory_space<smem>>
    %sub3A_59 = arith.subi %get3A_58, %mul3A_4 : i32
    %max3A_60 = arith.constant 0 : i32
    %max3A_61 = arith.maxsi %sub3A_59, %max3A_60 : i32
    %get3A_62 = arith.constant 5 : index
    %get3A_63 = memref.load %arg1[%get3A_62] : memref<17xi32, #tpu.memory_space<smem>>
    %sub3A_64 = arith.subi %get3A_63, %mul3A_4 : i32
    %min3A_65 = arith.constant 1024 : i32
    %min3A_66 = arith.minsi %sub3A_64, %min3A_65 : i32
    %gt3A_67 = arith.cmpi sgt, %min3A_66, %max3A_61 : i32
    %convert_element_type3A_68 = arith.extui %gt3A_67 : i1 to i32
    %cond3A_69 = arith.constant 0 : i32
    %cond3A_70 = arith.cmpi ne, %convert_element_type3A_68, %cond3A_69 : i32
    scf.if %cond3A_70 {
      %ge3A = vector.broadcast %max3A_61 : i32 to vector<1024x1xi32>
      %ge3A_225 = arith.cmpi sge, %iota3A, %ge3A : vector<1024x1xi32>
      %lt3A = vector.broadcast %min3A_66 : i32 to vector<1024x1xi32>
      %lt3A_226 = arith.cmpi slt, %iota3A, %lt3A : vector<1024x1xi32>
      %and3A = arith.andi %ge3A_225, %lt3A_226 : vector<1024x1xi1>
      %jit3A = arith.constant 0xFF800000 : f32
      %broadcast_in_dim3A = vector.shape_cast %and3A : vector<1024x1xi1> to vector<1024x1xi1>
      %broadcast_in_dim3A_227 = vector.broadcast %broadcast_in_dim3A : vector<1024x1xi1> to vector<1024x256xi1>
      %broadcast_in_dim3A_228 = vector.broadcast %jit3A : f32 to vector<1024x256xf32>
      %select_n3A = arith.select %broadcast_in_dim3A_227, %get3A_3, %broadcast_in_dim3A_228 : vector<1024x256xi1>, vector<1024x256xf32>
      %reduce_max3A = arith.constant dense<0xFF800000> : vector<256xf32>
      %reduce_max3A_229 = vector.multi_reduction <maximumf>, %select_n3A, %reduce_max3A [0] : vector<1024x256xf32> to vector<256xf32>
      %broadcast_in_dim3A_230 = vector.shape_cast %reduce_max3A_229 : vector<256xf32> to vector<1x256xf32>
      %get3A_231 = arith.constant 4 : index
      %get3A_232 = arith.constant 0 : index
      %get3A_233 = vector.load %arg3[%get3A_231, %get3A_232] : memref<16x256xf32, #tpu.memory_space<vmem>>, vector<1x256xf32>
      %max3A_234 = arith.maximumf %get3A_233, %broadcast_in_dim3A_230 : vector<1x256xf32>
      %swap3A = arith.constant 4 : index
      %swap3A_235 = arith.constant 0 : index
      %swap3A_236 = vector.load %arg3[%swap3A, %swap3A_235] : memref<16x256xf32, #tpu.memory_space<vmem>>, vector<1x256xf32>
      tpu.vector_store %arg3[%swap3A, %swap3A_235], %max3A_234 {strides = array<i32>} : memref<16x256xf32, #tpu.memory_space<vmem>>, vector<1x256xf32>,
    } else {
    }
    %get3A_71 = arith.constant 5 : index
    %get3A_72 = memref.load %arg1[%get3A_71] : memref<17xi32, #tpu.memory_space<smem>>
    %sub3A_73 = arith.subi %get3A_72, %mul3A_4 : i32
    %max3A_74 = arith.constant 0 : i32
    %max3A_75 = arith.maxsi %sub3A_73, %max3A_74 : i32
    %get3A_76 = arith.constant 6 : index
    %get3A_77 = memref.load %arg1[%get3A_76] : memref<17xi32, #tpu.memory_space<smem>>
    %sub3A_78 = arith.subi %get3A_77, %mul3A_4 : i32
    %min3A_79 = arith.constant 1024 : i32
    %min3A_80 = arith.minsi %sub3A_78, %min3A_79 : i32
    %gt3A_81 = arith.cmpi sgt, %min3A_80, %max3A_75 : i32
    %convert_element_type3A_82 = arith.extui %gt3A_81 : i1 to i32
    %cond3A_83 = arith.constant 0 : i32
    %cond3A_84 = arith.cmpi ne, %convert_element_type3A_82, %cond3A_83 : i32
    scf.if %cond3A_84 {
      %ge3A = vector.broadcast %max3A_75 : i32 to vector<1024x1xi32>
      %ge3A_225 = arith.cmpi sge, %iota3A, %ge3A : vector<1024x1xi32>
      %lt3A = vector.broadcast %min3A_80 : i32 to vector<1024x1xi32>
      %lt3A_226 = arith.cmpi slt, %iota3A, %lt3A : vector<1024x1xi32>
      %and3A = arith.andi %ge3A_225, %lt3A_226 : vector<1024x1xi1>
      %jit3A = arith.constant 0xFF800000 : f32
      %broadcast_in_dim3A = vector.shape_cast %and3A : vector<1024x1xi1> to vector<1024x1xi1>
      %broadcast_in_dim3A_227 = vector.broadcast %broadcast_in_dim3A : vector<1024x1xi1> to vector<1024x256xi1>
      %broadcast_in_dim3A_228 = vector.broadcast %jit3A : f32 to vector<1024x256xf32>
      %select_n3A = arith.select %broadcast_in_dim3A_227, %get3A_3, %broadcast_in_dim3A_228 : vector<1024x256xi1>, vector<1024x256xf32>
      %reduce_max3A = arith.constant dense<0xFF800000> : vector<256xf32>
      %reduce_max3A_229 = vector.multi_reduction <maximumf>, %select_n3A, %reduce_max3A [0] : vector<1024x256xf32> to vector<256xf32>
      %broadcast_in_dim3A_230 = vector.shape_cast %reduce_max3A_229 : vector<256xf32> to vector<1x256xf32>
      %get3A_231 = arith.constant 5 : index
      %get3A_232 = arith.constant 0 : index
      %get3A_233 = vector.load %arg3[%get3A_231, %get3A_232] : memref<16x256xf32, #tpu.memory_space<vmem>>, vector<1x256xf32>
      %max3A_234 = arith.maximumf %get3A_233, %broadcast_in_dim3A_230 : vector<1x256xf32>
      %swap3A = arith.constant 5 : index
      %swap3A_235 = arith.constant 0 : index
      %swap3A_236 = vector.load %arg3[%swap3A, %swap3A_235] : memref<16x256xf32, #tpu.memory_space<vmem>>, vector<1x256xf32>
      tpu.vector_store %arg3[%swap3A, %swap3A_235], %max3A_234 {strides = array<i32>} : memref<16x256xf32, #tpu.memory_space<vmem>>, vector<1x256xf32>,
    } else {
    }
    %get3A_85 = arith.constant 6 : index
    %get3A_86 = memref.load %arg1[%get3A_85] : memref<17xi32, #tpu.memory_space<smem>>
    %sub3A_87 = arith.subi %get3A_86, %mul3A_4 : i32
    %max3A_88 = arith.constant 0 : i32
    %max3A_89 = arith.maxsi %sub3A_87, %max3A_88 : i32
    %get3A_90 = arith.constant 7 : index
    %get3A_91 = memref.load %arg1[%get3A_90] : memref<17xi32, #tpu.memory_space<smem>>
    %sub3A_92 = arith.subi %get3A_91, %mul3A_4 : i32
    %min3A_93 = arith.constant 1024 : i32
    %min3A_94 = arith.minsi %sub3A_92, %min3A_93 : i32
    %gt3A_95 = arith.cmpi sgt, %min3A_94, %max3A_89 : i32
    %convert_element_type3A_96 = arith.extui %gt3A_95 : i1 to i32
    %cond3A_97 = arith.constant 0 : i32
    %cond3A_98 = arith.cmpi ne, %convert_element_type3A_96, %cond3A_97 : i32
    scf.if %cond3A_98 {
      %ge3A = vector.broadcast %max3A_89 : i32 to vector<1024x1xi32>
      %ge3A_225 = arith.cmpi sge, %iota3A, %ge3A : vector<1024x1xi32>
      %lt3A = vector.broadcast %min3A_94 : i32 to vector<1024x1xi32>
      %lt3A_226 = arith.cmpi slt, %iota3A, %lt3A : vector<1024x1xi32>
      %and3A = arith.andi %ge3A_225, %lt3A_226 : vector<1024x1xi1>
      %jit3A = arith.constant 0xFF800000 : f32
      %broadcast_in_dim3A = vector.shape_cast %and3A : vector<1024x1xi1> to vector<1024x1xi1>
      %broadcast_in_dim3A_227 = vector.broadcast %broadcast_in_dim3A : vector<1024x1xi1> to vector<1024x256xi1>
      %broadcast_in_dim3A_228 = vector.broadcast %jit3A : f32 to vector<1024x256xf32>
      %select_n3A = arith.select %broadcast_in_dim3A_227, %get3A_3, %broadcast_in_dim3A_228 : vector<1024x256xi1>, vector<1024x256xf32>
      %reduce_max3A = arith.constant dense<0xFF800000> : vector<256xf32>
      %reduce_max3A_229 = vector.multi_reduction <maximumf>, %select_n3A, %reduce_max3A [0] : vector<1024x256xf32> to vector<256xf32>
      %broadcast_in_dim3A_230 = vector.shape_cast %reduce_max3A_229 : vector<256xf32> to vector<1x256xf32>
      %get3A_231 = arith.constant 6 : index
      %get3A_232 = arith.constant 0 : index
      %get3A_233 = vector.load %arg3[%get3A_231, %get3A_232] : memref<16x256xf32, #tpu.memory_space<vmem>>, vector<1x256xf32>
      %max3A_234 = arith.maximumf %get3A_233, %broadcast_in_dim3A_230 : vector<1x256xf32>
      %swap3A = arith.constant 6 : index
      %swap3A_235 = arith.constant 0 : index
      %swap3A_236 = vector.load %arg3[%swap3A, %swap3A_235] : memref<16x256xf32, #tpu.memory_space<vmem>>, vector<1x256xf32>
      tpu.vector_store %arg3[%swap3A, %swap3A_235], %max3A_234 {strides = array<i32>} : memref<16x256xf32, #tpu.memory_space<vmem>>, vector<1x256xf32>,
    } else {
    }
    %get3A_99 = arith.constant 7 : index
    %get3A_100 = memref.load %arg1[%get3A_99] : memref<17xi32, #tpu.memory_space<smem>>
    %sub3A_101 = arith.subi %get3A_100, %mul3A_4 : i32
    %max3A_102 = arith.constant 0 : i32
    %max3A_103 = arith.maxsi %sub3A_101, %max3A_102 : i32
    %get3A_104 = arith.constant 8 : index
    %get3A_105 = memref.load %arg1[%get3A_104] : memref<17xi32, #tpu.memory_space<smem>>
    %sub3A_106 = arith.subi %get3A_105, %mul3A_4 : i32
    %min3A_107 = arith.constant 1024 : i32
    %min3A_108 = arith.minsi %sub3A_106, %min3A_107 : i32
    %gt3A_109 = arith.cmpi sgt, %min3A_108, %max3A_103 : i32
    %convert_element_type3A_110 = arith.extui %gt3A_109 : i1 to i32
    %cond3A_111 = arith.constant 0 : i32
    %cond3A_112 = arith.cmpi ne, %convert_element_type3A_110, %cond3A_111 : i32
    scf.if %cond3A_112 {
      %ge3A = vector.broadcast %max3A_103 : i32 to vector<1024x1xi32>
      %ge3A_225 = arith.cmpi sge, %iota3A, %ge3A : vector<1024x1xi32>
      %lt3A = vector.broadcast %min3A_108 : i32 to vector<1024x1xi32>
      %lt3A_226 = arith.cmpi slt, %iota3A, %lt3A : vector<1024x1xi32>
      %and3A = arith.andi %ge3A_225, %lt3A_226 : vector<1024x1xi1>
      %jit3A = arith.constant 0xFF800000 : f32
      %broadcast_in_dim3A = vector.shape_cast %and3A : vector<1024x1xi1> to vector<1024x1xi1>
      %broadcast_in_dim3A_227 = vector.broadcast %broadcast_in_dim3A : vector<1024x1xi1> to vector<1024x256xi1>
      %broadcast_in_dim3A_228 = vector.broadcast %jit3A : f32 to vector<1024x256xf32>
      %select_n3A = arith.select %broadcast_in_dim3A_227, %get3A_3, %broadcast_in_dim3A_228 : vector<1024x256xi1>, vector<1024x256xf32>
      %reduce_max3A = arith.constant dense<0xFF800000> : vector<256xf32>
      %reduce_max3A_229 = vector.multi_reduction <maximumf>, %select_n3A, %reduce_max3A [0] : vector<1024x256xf32> to vector<256xf32>
      %broadcast_in_dim3A_230 = vector.shape_cast %reduce_max3A_229 : vector<256xf32> to vector<1x256xf32>
      %get3A_231 = arith.constant 7 : index
      %get3A_232 = arith.constant 0 : index
      %get3A_233 = vector.load %arg3[%get3A_231, %get3A_232] : memref<16x256xf32, #tpu.memory_space<vmem>>, vector<1x256xf32>
      %max3A_234 = arith.maximumf %get3A_233, %broadcast_in_dim3A_230 : vector<1x256xf32>
      %swap3A = arith.constant 7 : index
      %swap3A_235 = arith.constant 0 : index
      %swap3A_236 = vector.load %arg3[%swap3A, %swap3A_235] : memref<16x256xf32, #tpu.memory_space<vmem>>, vector<1x256xf32>
      tpu.vector_store %arg3[%swap3A, %swap3A_235], %max3A_234 {strides = array<i32>} : memref<16x256xf32, #tpu.memory_space<vmem>>, vector<1x256xf32>,
    } else {
    }
    %get3A_113 = arith.constant 8 : index
    %get3A_114 = memref.load %arg1[%get3A_113] : memref<17xi32, #tpu.memory_space<smem>>
    %sub3A_115 = arith.subi %get3A_114, %mul3A_4 : i32
    %max3A_116 = arith.constant 0 : i32
    %max3A_117 = arith.maxsi %sub3A_115, %max3A_116 : i32
    %get3A_118 = arith.constant 9 : index
    %get3A_119 = memref.load %arg1[%get3A_118] : memref<17xi32, #tpu.memory_space<smem>>
    %sub3A_120 = arith.subi %get3A_119, %mul3A_4 : i32
    %min3A_121 = arith.constant 1024 : i32
    %min3A_122 = arith.minsi %sub3A_120, %min3A_121 : i32
    %gt3A_123 = arith.cmpi sgt, %min3A_122, %max3A_117 : i32
    %convert_element_type3A_124 = arith.extui %gt3A_123 : i1 to i32
    %cond3A_125 = arith.constant 0 : i32
    %cond3A_126 = arith.cmpi ne, %convert_element_type3A_124, %cond3A_125 : i32
    scf.if %cond3A_126 {
      %ge3A = vector.broadcast %max3A_117 : i32 to vector<1024x1xi32>
      %ge3A_225 = arith.cmpi sge, %iota3A, %ge3A : vector<1024x1xi32>
      %lt3A = vector.broadcast %min3A_122 : i32 to vector<1024x1xi32>
      %lt3A_226 = arith.cmpi slt, %iota3A, %lt3A : vector<1024x1xi32>
      %and3A = arith.andi %ge3A_225, %lt3A_226 : vector<1024x1xi1>
      %jit3A = arith.constant 0xFF800000 : f32
      %broadcast_in_dim3A = vector.shape_cast %and3A : vector<1024x1xi1> to vector<1024x1xi1>
      %broadcast_in_dim3A_227 = vector.broadcast %broadcast_in_dim3A : vector<1024x1xi1> to vector<1024x256xi1>
      %broadcast_in_dim3A_228 = vector.broadcast %jit3A : f32 to vector<1024x256xf32>
      %select_n3A = arith.select %broadcast_in_dim3A_227, %get3A_3, %broadcast_in_dim3A_228 : vector<1024x256xi1>, vector<1024x256xf32>
      %reduce_max3A = arith.constant dense<0xFF800000> : vector<256xf32>
      %reduce_max3A_229 = vector.multi_reduction <maximumf>, %select_n3A, %reduce_max3A [0] : vector<1024x256xf32> to vector<256xf32>
      %broadcast_in_dim3A_230 = vector.shape_cast %reduce_max3A_229 : vector<256xf32> to vector<1x256xf32>
      %get3A_231 = arith.constant 8 : index
      %get3A_232 = arith.constant 0 : index
      %get3A_233 = vector.load %arg3[%get3A_231, %get3A_232] : memref<16x256xf32, #tpu.memory_space<vmem>>, vector<1x256xf32>
      %max3A_234 = arith.maximumf %get3A_233, %broadcast_in_dim3A_230 : vector<1x256xf32>
      %swap3A = arith.constant 8 : index
      %swap3A_235 = arith.constant 0 : index
      %swap3A_236 = vector.load %arg3[%swap3A, %swap3A_235] : memref<16x256xf32, #tpu.memory_space<vmem>>, vector<1x256xf32>
      tpu.vector_store %arg3[%swap3A, %swap3A_235], %max3A_234 {strides = array<i32>} : memref<16x256xf32, #tpu.memory_space<vmem>>, vector<1x256xf32>,
    } else {
    }
    %get3A_127 = arith.constant 9 : index
    %get3A_128 = memref.load %arg1[%get3A_127] : memref<17xi32, #tpu.memory_space<smem>>
    %sub3A_129 = arith.subi %get3A_128, %mul3A_4 : i32
    %max3A_130 = arith.constant 0 : i32
    %max3A_131 = arith.maxsi %sub3A_129, %max3A_130 : i32
    %get3A_132 = arith.constant 10 : index
    %get3A_133 = memref.load %arg1[%get3A_132] : memref<17xi32, #tpu.memory_space<smem>>
    %sub3A_134 = arith.subi %get3A_133, %mul3A_4 : i32
    %min3A_135 = arith.constant 1024 : i32
    %min3A_136 = arith.minsi %sub3A_134, %min3A_135 : i32
    %gt3A_137 = arith.cmpi sgt, %min3A_136, %max3A_131 : i32
    %convert_element_type3A_138 = arith.extui %gt3A_137 : i1 to i32
    %cond3A_139 = arith.constant 0 : i32
    %cond3A_140 = arith.cmpi ne, %convert_element_type3A_138, %cond3A_139 : i32
    scf.if %cond3A_140 {
      %ge3A = vector.broadcast %max3A_131 : i32 to vector<1024x1xi32>
      %ge3A_225 = arith.cmpi sge, %iota3A, %ge3A : vector<1024x1xi32>
      %lt3A = vector.broadcast %min3A_136 : i32 to vector<1024x1xi32>
      %lt3A_226 = arith.cmpi slt, %iota3A, %lt3A : vector<1024x1xi32>
      %and3A = arith.andi %ge3A_225, %lt3A_226 : vector<1024x1xi1>
      %jit3A = arith.constant 0xFF800000 : f32
      %broadcast_in_dim3A = vector.shape_cast %and3A : vector<1024x1xi1> to vector<1024x1xi1>
      %broadcast_in_dim3A_227 = vector.broadcast %broadcast_in_dim3A : vector<1024x1xi1> to vector<1024x256xi1>
      %broadcast_in_dim3A_228 = vector.broadcast %jit3A : f32 to vector<1024x256xf32>
      %select_n3A = arith.select %broadcast_in_dim3A_227, %get3A_3, %broadcast_in_dim3A_228 : vector<1024x256xi1>, vector<1024x256xf32>
      %reduce_max3A = arith.constant dense<0xFF800000> : vector<256xf32>
      %reduce_max3A_229 = vector.multi_reduction <maximumf>, %select_n3A, %reduce_max3A [0] : vector<1024x256xf32> to vector<256xf32>
      %broadcast_in_dim3A_230 = vector.shape_cast %reduce_max3A_229 : vector<256xf32> to vector<1x256xf32>
      %get3A_231 = arith.constant 9 : index
      %get3A_232 = arith.constant 0 : index
      %get3A_233 = vector.load %arg3[%get3A_231, %get3A_232] : memref<16x256xf32, #tpu.memory_space<vmem>>, vector<1x256xf32>
      %max3A_234 = arith.maximumf %get3A_233, %broadcast_in_dim3A_230 : vector<1x256xf32>
      %swap3A = arith.constant 9 : index
      %swap3A_235 = arith.constant 0 : index
      %swap3A_236 = vector.load %arg3[%swap3A, %swap3A_235] : memref<16x256xf32, #tpu.memory_space<vmem>>, vector<1x256xf32>
      tpu.vector_store %arg3[%swap3A, %swap3A_235], %max3A_234 {strides = array<i32>} : memref<16x256xf32, #tpu.memory_space<vmem>>, vector<1x256xf32>,
    } else {
    }
    %get3A_141 = arith.constant 10 : index
    %get3A_142 = memref.load %arg1[%get3A_141] : memref<17xi32, #tpu.memory_space<smem>>
    %sub3A_143 = arith.subi %get3A_142, %mul3A_4 : i32
    %max3A_144 = arith.constant 0 : i32
    %max3A_145 = arith.maxsi %sub3A_143, %max3A_144 : i32
    %get3A_146 = arith.constant 11 : index
    %get3A_147 = memref.load %arg1[%get3A_146] : memref<17xi32, #tpu.memory_space<smem>>
    %sub3A_148 = arith.subi %get3A_147, %mul3A_4 : i32
    %min3A_149 = arith.constant 1024 : i32
    %min3A_150 = arith.minsi %sub3A_148, %min3A_149 : i32
    %gt3A_151 = arith.cmpi sgt, %min3A_150, %max3A_145 : i32
    %convert_element_type3A_152 = arith.extui %gt3A_151 : i1 to i32
    %cond3A_153 = arith.constant 0 : i32
    %cond3A_154 = arith.cmpi ne, %convert_element_type3A_152, %cond3A_153 : i32
    scf.if %cond3A_154 {
      %ge3A = vector.broadcast %max3A_145 : i32 to vector<1024x1xi32>
      %ge3A_225 = arith.cmpi sge, %iota3A, %ge3A : vector<1024x1xi32>
      %lt3A = vector.broadcast %min3A_150 : i32 to vector<1024x1xi32>
      %lt3A_226 = arith.cmpi slt, %iota3A, %lt3A : vector<1024x1xi32>
      %and3A = arith.andi %ge3A_225, %lt3A_226 : vector<1024x1xi1>
      %jit3A = arith.constant 0xFF800000 : f32
      %broadcast_in_dim3A = vector.shape_cast %and3A : vector<1024x1xi1> to vector<1024x1xi1>
      %broadcast_in_dim3A_227 = vector.broadcast %broadcast_in_dim3A : vector<1024x1xi1> to vector<1024x256xi1>
      %broadcast_in_dim3A_228 = vector.broadcast %jit3A : f32 to vector<1024x256xf32>
      %select_n3A = arith.select %broadcast_in_dim3A_227, %get3A_3, %broadcast_in_dim3A_228 : vector<1024x256xi1>, vector<1024x256xf32>
      %reduce_max3A = arith.constant dense<0xFF800000> : vector<256xf32>
      %reduce_max3A_229 = vector.multi_reduction <maximumf>, %select_n3A, %reduce_max3A [0] : vector<1024x256xf32> to vector<256xf32>
      %broadcast_in_dim3A_230 = vector.shape_cast %reduce_max3A_229 : vector<256xf32> to vector<1x256xf32>
      %get3A_231 = arith.constant 10 : index
      %get3A_232 = arith.constant 0 : index
      %get3A_233 = vector.load %arg3[%get3A_231, %get3A_232] : memref<16x256xf32, #tpu.memory_space<vmem>>, vector<1x256xf32>
      %max3A_234 = arith.maximumf %get3A_233, %broadcast_in_dim3A_230 : vector<1x256xf32>
      %swap3A = arith.constant 10 : index
      %swap3A_235 = arith.constant 0 : index
      %swap3A_236 = vector.load %arg3[%swap3A, %swap3A_235] : memref<16x256xf32, #tpu.memory_space<vmem>>, vector<1x256xf32>
      tpu.vector_store %arg3[%swap3A, %swap3A_235], %max3A_234 {strides = array<i32>} : memref<16x256xf32, #tpu.memory_space<vmem>>, vector<1x256xf32>,
    } else {
    }
    %get3A_155 = arith.constant 11 : index
    %get3A_156 = memref.load %arg1[%get3A_155] : memref<17xi32, #tpu.memory_space<smem>>
    %sub3A_157 = arith.subi %get3A_156, %mul3A_4 : i32
    %max3A_158 = arith.constant 0 : i32
    %max3A_159 = arith.maxsi %sub3A_157, %max3A_158 : i32
    %get3A_160 = arith.constant 12 : index
    %get3A_161 = memref.load %arg1[%get3A_160] : memref<17xi32, #tpu.memory_space<smem>>
    %sub3A_162 = arith.subi %get3A_161, %mul3A_4 : i32
    %min3A_163 = arith.constant 1024 : i32
    %min3A_164 = arith.minsi %sub3A_162, %min3A_163 : i32
    %gt3A_165 = arith.cmpi sgt, %min3A_164, %max3A_159 : i32
    %convert_element_type3A_166 = arith.extui %gt3A_165 : i1 to i32
    %cond3A_167 = arith.constant 0 : i32
    %cond3A_168 = arith.cmpi ne, %convert_element_type3A_166, %cond3A_167 : i32
    scf.if %cond3A_168 {
      %ge3A = vector.broadcast %max3A_159 : i32 to vector<1024x1xi32>
      %ge3A_225 = arith.cmpi sge, %iota3A, %ge3A : vector<1024x1xi32>
      %lt3A = vector.broadcast %min3A_164 : i32 to vector<1024x1xi32>
      %lt3A_226 = arith.cmpi slt, %iota3A, %lt3A : vector<1024x1xi32>
      %and3A = arith.andi %ge3A_225, %lt3A_226 : vector<1024x1xi1>
      %jit3A = arith.constant 0xFF800000 : f32
      %broadcast_in_dim3A = vector.shape_cast %and3A : vector<1024x1xi1> to vector<1024x1xi1>
      %broadcast_in_dim3A_227 = vector.broadcast %broadcast_in_dim3A : vector<1024x1xi1> to vector<1024x256xi1>
      %broadcast_in_dim3A_228 = vector.broadcast %jit3A : f32 to vector<1024x256xf32>
      %select_n3A = arith.select %broadcast_in_dim3A_227, %get3A_3, %broadcast_in_dim3A_228 : vector<1024x256xi1>, vector<1024x256xf32>
      %reduce_max3A = arith.constant dense<0xFF800000> : vector<256xf32>
      %reduce_max3A_229 = vector.multi_reduction <maximumf>, %select_n3A, %reduce_max3A [0] : vector<1024x256xf32> to vector<256xf32>
      %broadcast_in_dim3A_230 = vector.shape_cast %reduce_max3A_229 : vector<256xf32> to vector<1x256xf32>
      %get3A_231 = arith.constant 11 : index
      %get3A_232 = arith.constant 0 : index
      %get3A_233 = vector.load %arg3[%get3A_231, %get3A_232] : memref<16x256xf32, #tpu.memory_space<vmem>>, vector<1x256xf32>
      %max3A_234 = arith.maximumf %get3A_233, %broadcast_in_dim3A_230 : vector<1x256xf32>
      %swap3A = arith.constant 11 : index
      %swap3A_235 = arith.constant 0 : index
      %swap3A_236 = vector.load %arg3[%swap3A, %swap3A_235] : memref<16x256xf32, #tpu.memory_space<vmem>>, vector<1x256xf32>
      tpu.vector_store %arg3[%swap3A, %swap3A_235], %max3A_234 {strides = array<i32>} : memref<16x256xf32, #tpu.memory_space<vmem>>, vector<1x256xf32>,
    } else {
    }
    %get3A_169 = arith.constant 12 : index
    %get3A_170 = memref.load %arg1[%get3A_169] : memref<17xi32, #tpu.memory_space<smem>>
    %sub3A_171 = arith.subi %get3A_170, %mul3A_4 : i32
    %max3A_172 = arith.constant 0 : i32
    %max3A_173 = arith.maxsi %sub3A_171, %max3A_172 : i32
    %get3A_174 = arith.constant 13 : index
    %get3A_175 = memref.load %arg1[%get3A_174] : memref<17xi32, #tpu.memory_space<smem>>
    %sub3A_176 = arith.subi %get3A_175, %mul3A_4 : i32
    %min3A_177 = arith.constant 1024 : i32
    %min3A_178 = arith.minsi %sub3A_176, %min3A_177 : i32
    %gt3A_179 = arith.cmpi sgt, %min3A_178, %max3A_173 : i32
    %convert_element_type3A_180 = arith.extui %gt3A_179 : i1 to i32
    %cond3A_181 = arith.constant 0 : i32
    %cond3A_182 = arith.cmpi ne, %convert_element_type3A_180, %cond3A_181 : i32
    scf.if %cond3A_182 {
      %ge3A = vector.broadcast %max3A_173 : i32 to vector<1024x1xi32>
      %ge3A_225 = arith.cmpi sge, %iota3A, %ge3A : vector<1024x1xi32>
      %lt3A = vector.broadcast %min3A_178 : i32 to vector<1024x1xi32>
      %lt3A_226 = arith.cmpi slt, %iota3A, %lt3A : vector<1024x1xi32>
      %and3A = arith.andi %ge3A_225, %lt3A_226 : vector<1024x1xi1>
      %jit3A = arith.constant 0xFF800000 : f32
      %broadcast_in_dim3A = vector.shape_cast %and3A : vector<1024x1xi1> to vector<1024x1xi1>
      %broadcast_in_dim3A_227 = vector.broadcast %broadcast_in_dim3A : vector<1024x1xi1> to vector<1024x256xi1>
      %broadcast_in_dim3A_228 = vector.broadcast %jit3A : f32 to vector<1024x256xf32>
      %select_n3A = arith.select %broadcast_in_dim3A_227, %get3A_3, %broadcast_in_dim3A_228 : vector<1024x256xi1>, vector<1024x256xf32>
      %reduce_max3A = arith.constant dense<0xFF800000> : vector<256xf32>
      %reduce_max3A_229 = vector.multi_reduction <maximumf>, %select_n3A, %reduce_max3A [0] : vector<1024x256xf32> to vector<256xf32>
      %broadcast_in_dim3A_230 = vector.shape_cast %reduce_max3A_229 : vector<256xf32> to vector<1x256xf32>
      %get3A_231 = arith.constant 12 : index
      %get3A_232 = arith.constant 0 : index
      %get3A_233 = vector.load %arg3[%get3A_231, %get3A_232] : memref<16x256xf32, #tpu.memory_space<vmem>>, vector<1x256xf32>
      %max3A_234 = arith.maximumf %get3A_233, %broadcast_in_dim3A_230 : vector<1x256xf32>
      %swap3A = arith.constant 12 : index
      %swap3A_235 = arith.constant 0 : index
      %swap3A_236 = vector.load %arg3[%swap3A, %swap3A_235] : memref<16x256xf32, #tpu.memory_space<vmem>>, vector<1x256xf32>
      tpu.vector_store %arg3[%swap3A, %swap3A_235], %max3A_234 {strides = array<i32>} : memref<16x256xf32, #tpu.memory_space<vmem>>, vector<1x256xf32>,
    } else {
    }
    %get3A_183 = arith.constant 13 : index
    %get3A_184 = memref.load %arg1[%get3A_183] : memref<17xi32, #tpu.memory_space<smem>>
    %sub3A_185 = arith.subi %get3A_184, %mul3A_4 : i32
    %max3A_186 = arith.constant 0 : i32
    %max3A_187 = arith.maxsi %sub3A_185, %max3A_186 : i32
    %get3A_188 = arith.constant 14 : index
    %get3A_189 = memref.load %arg1[%get3A_188] : memref<17xi32, #tpu.memory_space<smem>>
    %sub3A_190 = arith.subi %get3A_189, %mul3A_4 : i32
    %min3A_191 = arith.constant 1024 : i32
    %min3A_192 = arith.minsi %sub3A_190, %min3A_191 : i32
    %gt3A_193 = arith.cmpi sgt, %min3A_192, %max3A_187 : i32
    %convert_element_type3A_194 = arith.extui %gt3A_193 : i1 to i32
    %cond3A_195 = arith.constant 0 : i32
    %cond3A_196 = arith.cmpi ne, %convert_element_type3A_194, %cond3A_195 : i32
    scf.if %cond3A_196 {
      %ge3A = vector.broadcast %max3A_187 : i32 to vector<1024x1xi32>
      %ge3A_225 = arith.cmpi sge, %iota3A, %ge3A : vector<1024x1xi32>
      %lt3A = vector.broadcast %min3A_192 : i32 to vector<1024x1xi32>
      %lt3A_226 = arith.cmpi slt, %iota3A, %lt3A : vector<1024x1xi32>
      %and3A = arith.andi %ge3A_225, %lt3A_226 : vector<1024x1xi1>
      %jit3A = arith.constant 0xFF800000 : f32
      %broadcast_in_dim3A = vector.shape_cast %and3A : vector<1024x1xi1> to vector<1024x1xi1>
      %broadcast_in_dim3A_227 = vector.broadcast %broadcast_in_dim3A : vector<1024x1xi1> to vector<1024x256xi1>
      %broadcast_in_dim3A_228 = vector.broadcast %jit3A : f32 to vector<1024x256xf32>
      %select_n3A = arith.select %broadcast_in_dim3A_227, %get3A_3, %broadcast_in_dim3A_228 : vector<1024x256xi1>, vector<1024x256xf32>
      %reduce_max3A = arith.constant dense<0xFF800000> : vector<256xf32>
      %reduce_max3A_229 = vector.multi_reduction <maximumf>, %select_n3A, %reduce_max3A [0] : vector<1024x256xf32> to vector<256xf32>
      %broadcast_in_dim3A_230 = vector.shape_cast %reduce_max3A_229 : vector<256xf32> to vector<1x256xf32>
      %get3A_231 = arith.constant 13 : index
      %get3A_232 = arith.constant 0 : index
      %get3A_233 = vector.load %arg3[%get3A_231, %get3A_232] : memref<16x256xf32, #tpu.memory_space<vmem>>, vector<1x256xf32>
      %max3A_234 = arith.maximumf %get3A_233, %broadcast_in_dim3A_230 : vector<1x256xf32>
      %swap3A = arith.constant 13 : index
      %swap3A_235 = arith.constant 0 : index
      %swap3A_236 = vector.load %arg3[%swap3A, %swap3A_235] : memref<16x256xf32, #tpu.memory_space<vmem>>, vector<1x256xf32>
      tpu.vector_store %arg3[%swap3A, %swap3A_235], %max3A_234 {strides = array<i32>} : memref<16x256xf32, #tpu.memory_space<vmem>>, vector<1x256xf32>,
    } else {
    }
    %get3A_197 = arith.constant 14 : index
    %get3A_198 = memref.load %arg1[%get3A_197] : memref<17xi32, #tpu.memory_space<smem>>
    %sub3A_199 = arith.subi %get3A_198, %mul3A_4 : i32
    %max3A_200 = arith.constant 0 : i32
    %max3A_201 = arith.maxsi %sub3A_199, %max3A_200 : i32
    %get3A_202 = arith.constant 15 : index
    %get3A_203 = memref.load %arg1[%get3A_202] : memref<17xi32, #tpu.memory_space<smem>>
    %sub3A_204 = arith.subi %get3A_203, %mul3A_4 : i32
    %min3A_205 = arith.constant 1024 : i32
    %min3A_206 = arith.minsi %sub3A_204, %min3A_205 : i32
    %gt3A_207 = arith.cmpi sgt, %min3A_206, %max3A_201 : i32
    %convert_element_type3A_208 = arith.extui %gt3A_207 : i1 to i32
    %cond3A_209 = arith.constant 0 : i32
    %cond3A_210 = arith.cmpi ne, %convert_element_type3A_208, %cond3A_209 : i32
    scf.if %cond3A_210 {
      %ge3A = vector.broadcast %max3A_201 : i32 to vector<1024x1xi32>
      %ge3A_225 = arith.cmpi sge, %iota3A, %ge3A : vector<1024x1xi32>
      %lt3A = vector.broadcast %min3A_206 : i32 to vector<1024x1xi32>
      %lt3A_226 = arith.cmpi slt, %iota3A, %lt3A : vector<1024x1xi32>
      %and3A = arith.andi %ge3A_225, %lt3A_226 : vector<1024x1xi1>
      %jit3A = arith.constant 0xFF800000 : f32
      %broadcast_in_dim3A = vector.shape_cast %and3A : vector<1024x1xi1> to vector<1024x1xi1>
      %broadcast_in_dim3A_227 = vector.broadcast %broadcast_in_dim3A : vector<1024x1xi1> to vector<1024x256xi1>
      %broadcast_in_dim3A_228 = vector.broadcast %jit3A : f32 to vector<1024x256xf32>
      %select_n3A = arith.select %broadcast_in_dim3A_227, %get3A_3, %broadcast_in_dim3A_228 : vector<1024x256xi1>, vector<1024x256xf32>
      %reduce_max3A = arith.constant dense<0xFF800000> : vector<256xf32>
      %reduce_max3A_229 = vector.multi_reduction <maximumf>, %select_n3A, %reduce_max3A [0] : vector<1024x256xf32> to vector<256xf32>
      %broadcast_in_dim3A_230 = vector.shape_cast %reduce_max3A_229 : vector<256xf32> to vector<1x256xf32>
      %get3A_231 = arith.constant 14 : index
      %get3A_232 = arith.constant 0 : index
      %get3A_233 = vector.load %arg3[%get3A_231, %get3A_232] : memref<16x256xf32, #tpu.memory_space<vmem>>, vector<1x256xf32>
      %max3A_234 = arith.maximumf %get3A_233, %broadcast_in_dim3A_230 : vector<1x256xf32>
      %swap3A = arith.constant 14 : index
      %swap3A_235 = arith.constant 0 : index
      %swap3A_236 = vector.load %arg3[%swap3A, %swap3A_235] : memref<16x256xf32, #tpu.memory_space<vmem>>, vector<1x256xf32>
      tpu.vector_store %arg3[%swap3A, %swap3A_235], %max3A_234 {strides = array<i32>} : memref<16x256xf32, #tpu.memory_space<vmem>>, vector<1x256xf32>,
    } else {
    }
    %get3A_211 = arith.constant 15 : index
    %get3A_212 = memref.load %arg1[%get3A_211] : memref<17xi32, #tpu.memory_space<smem>>
    %sub3A_213 = arith.subi %get3A_212, %mul3A_4 : i32
    %max3A_214 = arith.constant 0 : i32
    %max3A_215 = arith.maxsi %sub3A_213, %max3A_214 : i32
    %get3A_216 = arith.constant 16 : index
    %get3A_217 = memref.load %arg1[%get3A_216] : memref<17xi32, #tpu.memory_space<smem>>
    %sub3A_218 = arith.subi %get3A_217, %mul3A_4 : i32
    %min3A_219 = arith.constant 1024 : i32
    %min3A_220 = arith.minsi %sub3A_218, %min3A_219 : i32
    %gt3A_221 = arith.cmpi sgt, %min3A_220, %max3A_215 : i32
    %convert_element_type3A_222 = arith.extui %gt3A_221 : i1 to i32
    %cond3A_223 = arith.constant 0 : i32
    %cond3A_224 = arith.cmpi ne, %convert_element_type3A_222, %cond3A_223 : i32
    scf.if %cond3A_224 {
      %ge3A = vector.broadcast %max3A_215 : i32 to vector<1024x1xi32>
      %ge3A_225 = arith.cmpi sge, %iota3A, %ge3A : vector<1024x1xi32>
      %lt3A = vector.broadcast %min3A_220 : i32 to vector<1024x1xi32>
      %lt3A_226 = arith.cmpi slt, %iota3A, %lt3A : vector<1024x1xi32>
      %and3A = arith.andi %ge3A_225, %lt3A_226 : vector<1024x1xi1>
      %jit3A = arith.constant 0xFF800000 : f32
      %broadcast_in_dim3A = vector.shape_cast %and3A : vector<1024x1xi1> to vector<1024x1xi1>
      %broadcast_in_dim3A_227 = vector.broadcast %broadcast_in_dim3A : vector<1024x1xi1> to vector<1024x256xi1>
      %broadcast_in_dim3A_228 = vector.broadcast %jit3A : f32 to vector<1024x256xf32>
      %select_n3A = arith.select %broadcast_in_dim3A_227, %get3A_3, %broadcast_in_dim3A_228 : vector<1024x256xi1>, vector<1024x256xf32>
      %reduce_max3A = arith.constant dense<0xFF800000> : vector<256xf32>
      %reduce_max3A_229 = vector.multi_reduction <maximumf>, %select_n3A, %reduce_max3A [0] : vector<1024x256xf32> to vector<256xf32>
      %broadcast_in_dim3A_230 = vector.shape_cast %reduce_max3A_229 : vector<256xf32> to vector<1x256xf32>
      %get3A_231 = arith.constant 15 : index
      %get3A_232 = arith.constant 0 : index
      %get3A_233 = vector.load %arg3[%get3A_231, %get3A_232] : memref<16x256xf32, #tpu.memory_space<vmem>>, vector<1x256xf32>
      %max3A_234 = arith.maximumf %get3A_233, %broadcast_in_dim3A_230 : vector<1x256xf32>
      %swap3A = arith.constant 15 : index
      %swap3A_235 = arith.constant 0 : index
      %swap3A_236 = vector.load %arg3[%swap3A, %swap3A_235] : memref<16x256xf32, #tpu.memory_space<vmem>>, vector<1x256xf32>
      tpu.vector_store %arg3[%swap3A, %swap3A_235], %max3A_234 {strides = array<i32>} : memref<16x256xf32, #tpu.memory_space<vmem>>, vector<1x256xf32>,
    } else {
    }
    return
  }
  func.func @transform_0(%arg0: i32, %arg1: memref<17xi32, #tpu.memory_space<smem>>) -> (i32, i32) {
    %c0_i32 = arith.constant 0 : i32
    %c0_i32_0 = arith.constant 0 : i32
    return %arg0, %c0_i32 : i32, i32
  }
  func.func @transform_1(%arg0: i32, %arg1: memref<17xi32, #tpu.memory_space<smem>>) -> (i32, i32) {
    %c0_i32 = arith.constant 0 : i32
    %c0_i32_0 = arith.constant 0 : i32
    %c0_i32_1 = arith.constant 0 : i32
    return %c0_i32, %c0_i32_0 : i32, i32
  }
}

</mosaic_0001>

<sc_bundles>
// kernel: kernel.5.cloned.1.call-start
scs
__scs_entry_jumppad:
0x0: {  	(pc) =	sbr.rel $0x88, $3  }
0x1: {  	(tag) =	ssettag $0x0;
	lr =	simm.s32 $0x1  }
0x2: {  	[smem:$0x3F9F] =	sst lr;
	_ =	strace $0xD0000000  }
0x3: {  	_ = 	snop  }
0x4: {  	_ = 	snop  }
0x5: {  	_ = 	snop  }
0x6: {  	_ = 	snop  }
0x7: {  	_ = 	snop  }
__scs_overlays_trampoline_lowered:
0x8: {  	[smem:$0x3FAE] =	sst s0  }
0x9: {  	[smem:$0x3FAF] =	sst s1  }
0xa: {  	[smem:$0x3FB0] =	sst s2  }
0xb: {  	[smem:$0x3FB1] =	sst s3  }
0xc: {  	[smem:$0x3FB2] =	sst s4  }
0xd: {  	[smem:$0x3FB3] =	sst s5  }
0xe: {  	[smem:$0x3FB4] =	sst s6  }
0xf: {  	[smem:$0x3FB5] =	sst s7  }
0x10: {  	[smem:$0x3FB6] =	sst s8  }
0x11: {  	[smem:$0x3FB7] =	sst s9;
	s0 =	simm.s32 @!p0 $0x0  }
0x12: {  	s1 =	sld [smem:$0x3F9D];
	s0 =	simm.s32 @p0 $0x1  }
0x13: {  	[smem:$0x3FB8] =	sst s0;
	s0 =	simm.s32 @!p1 $0x0  }
0x14: {  	s2 =	sld [smem:$0x3F9C];
	s0 =	simm.s32 @p1 $0x1  }
0x15: {  	[smem:$0x3FB9] =	sst s0;
	s0 =	simm.s32 @!p2 $0x0  }
0x16: {  	s3 =	sld [smem:$0x3FDB];
	s0 =	simm.s32 @p2 $0x1  }
0x17: {  	s4 =	simm.s32 $0x1BF5;
	[smem:$0x3FBB] =	sst s0  }
0x18: {  	s0 =	sld [smem:$0x3F9E];
	_ =	swait.ge [sflag:s4], $0x0  }
0x19: {  	s7 =	sld [smem:$0x3F9F]  }
0x1a: {  	s8 =	sadd.s32 $0xFFFFE003, lr  }
0x1b: {  	s9 =	sadd.s32 $0xFFFFFEF7, lr;
	s5 =	simm.s32 $0xFFFFFFFF;
	p2 =	slt.u32 s8, $0xFFFFF086  }
0x1c: {  	p1 =	slt.u32 s9, $0xF7A;
	s5 =	simm.s32 @!p2 $0x0  }
0x1d: {  	s5 =	simm.s32 @p1 $0x1;
	p0 =	seq.s32 s7, s2  }
0x1e: {  	s7 =	smul.u32 @!p0 $0xF7A, s2;
	p2 =	seq.s32 @!p0 s5, $0x0  }
0x1f: {  	s9 =	smul.u32 $0xF7A, s1;
	s8 =	simm.s32 @!p0 $0x1BF5;
	p2 =	por !p2, p0  }
0x20: {  	[sflag:s8] =	ssyncset.s32 @!p0 $0xFFFFF086;
	s6 =	sadd.s32 @!p0 s3, s7;
	s7 =	simm.s32 @!p0 $0x108  }
0x21: {  	s3 =	sadd.s32 s3, s9;
	s6 =	sadd.s32 @!p0 $0x88, s6;
	s7 =	simm.s32 @p2 $0x1082  }
0x22: {  	[simem:s7], [sflag:s8] =	dma.local @!p0 [hbm:s6], $0xF7A  }
0x23: {  	s9 =	sor.u32 $0xD0000000, s2;
	s6 =	simm.s32 $0x108;
	_ =	swait.ge @!p0 [sflag:s8], $0x0  }
0x24: {  	s3 =	sadd.s32 $0x88, s3;
	s6 =	simm.s32 @!p1 $0x1082;
	[sflag:s4] =	ssyncset.s32 $0xFFFFF086  }
0x25: {  	[simem:s6], [sflag:s4] =	dma.local [hbm:s3], $0xF7A  }
0x26: {  	[smem:$0x3F9F] =	sst s1;
	(tag) =	ssettag s2;
	_ =	strace s9  }
0x27: {  	s1 =	sld [smem:$0x3FAF]  }
0x28: {  	s2 =	sld [smem:$0x3FB0]  }
0x29: {  	s4 =	sld [smem:$0x3FB2]  }
0x2a: {  	p0 =	seq.s32 s5, $0x0;
	s5 =	sld [smem:$0x3FB3]  }
0x2b: {  	s6 =	sld [smem:$0x3FB4]  }
0x2c: {  	s7 =	sld [smem:$0x3FB5]  }
0x2d: {  	s3 =	simm.s32 $0x108;
	s8 =	sld [smem:$0x3FB6]  }
0x2e: {  	s3 =	simm.s32 @!p0 $0x1082;
	s9 =	sld [smem:$0x3FB7]  }
0x2f: {  	lr =	sadd.s32 s0, s3;
	s0 =	sld [smem:$0x3FAE]  }
0x30: {  	s3 =	sld [smem:$0x3FB1]  }
0x31: {  	[smem:$0x3FBA] =	sst s10  }
0x32: {  	s10 =	sld [smem:$0x3FB8];
	_ =	sdelay $0x3  }
0x33: {  	p0 =	seq.s32 s10, $0x1;
	s10 =	sld [smem:$0x3FBA];
	_ =	sdelay $0x3  }
0x34: {  	[smem:$0x3FBA] =	sst s10  }
0x35: {  	s10 =	sld [smem:$0x3FB9];
	_ =	sdelay $0x3  }
0x36: {  	p1 =	seq.s32 s10, $0x1;
	s10 =	sld [smem:$0x3FBA];
	_ =	sdelay $0x3  }
0x37: {  	[smem:$0x3FBA] =	sst s10  }
0x38: {  	s10 =	sld [smem:$0x3FBB]  }
0x39: {  	_ = 	snop;
	(pc) =	sbr.ind lr, $3  }
0x3a: {  	_ = 	snop  }
0x3b: {  	_ = 	snop  }
0x3c: {  	p2 =	seq.s32 s10, $0x1;
	s10 =	sld [smem:$0x3FBA]  }
0x3d: {  	_ =	shalt  }
0x3e: {  	_ =	shalt  }
0x3f: {  	_ =	shalt  }
0x40: {  	_ =	shalt  }
0x41: {  	_ =	shalt  }
0x42: {  	_ =	shalt  }
0x43: {  	_ =	shalt  }
0x44: {  	_ =	shalt  }
0x45: {  	_ =	shalt  }
0x46: {  	_ =	shalt  }
0x47: {  	_ =	shalt  }
0x48: {  	_ =	shalt  }
0x49: {  	_ =	shalt  }
0x4a: {  	_ =	shalt  }
0x4b: {  	_ =	shalt  }
0x4c: {  	_ =	shalt  }
0x4d: {  	_ =	shalt  }
0x4e: {  	_ =	shalt  }
0x4f: {  	_ =	shalt  }
0x50: {  	_ =	shalt  }
0x51: {  	_ =	shalt  }
0x52: {  	_ =	shalt  }
0x53: {  	_ =	shalt  }
0x54: {  	_ =	shalt  }
0x55: {  	_ =	shalt  }
0x56: {  	_ =	shalt  }
0x57: {  	_ =	shalt  }
0x58: {  	_ =	shalt  }
0x59: {  	_ =	shalt  }
0x5a: {  	_ =	shalt  }
0x5b: {  	_ =	shalt  }
0x5c: {  	_ =	shalt  }
0x5d: {  	_ =	shalt  }
0x5e: {  	_ =	shalt  }
0x5f: {  	_ =	shalt  }
0x60: {  	_ =	shalt  }
0x61: {  	_ =	shalt  }
0x62: {  	_ =	shalt  }
0x63: {  	_ =	shalt  }
0x64: {  	_ =	shalt  }
0x65: {  	_ =	shalt  }
0x66: {  	_ =	shalt  }
0x67: {  	_ =	shalt  }
0x68: {  	_ =	shalt  }
0x69: {  	_ =	shalt  }
0x6a: {  	_ =	shalt  }
0x6b: {  	_ =	shalt  }
0x6c: {  	_ =	shalt  }
0x6d: {  	_ =	shalt  }
0x6e: {  	_ =	shalt  }
0x6f: {  	_ =	shalt  }
0x70: {  	_ =	shalt  }
0x71: {  	_ =	shalt  }
0x72: {  	_ =	shalt  }
0x73: {  	_ =	shalt  }
0x74: {  	_ =	shalt  }
0x75: {  	_ =	shalt  }
0x76: {  	_ =	shalt  }
0x77: {  	_ =	shalt  }
0x78: {  	_ =	shalt  }
0x79: {  	_ =	shalt  }
0x7a: {  	_ =	shalt  }
0x7b: {  	_ =	shalt  }
0x7c: {  	_ =	shalt  }
0x7d: {  	_ =	shalt  }
0x7e: {  	_ =	shalt  }
0x7f: {  	_ =	shalt  }
0x80: {  	_ =	shalt  }
0x81: {  	_ =	shalt  }
0x82: {  	_ =	shalt  }
0x83: {  	_ =	shalt  }
0x84: {  	_ =	shalt  }
0x85: {  	_ =	shalt  }
0x86: {  	_ =	shalt  }
0x87: {  	_ =	shalt  }
.Lfunc_end0:
.L_simem_size_0:
called_computation_lowered:
.L_overlay_start_0:
0x88: {  	s2 =	sld [smem:$0x3FD9]  }
0x89: {  	s3 =	sld [smem:$0x3FFE];
	_ =	sdelay $0x1  }
0x8a: {  	s1 =	srdreg.scid  }
0x8b: {  	s0 =	sand.u32 $0x1, s1  }
0x8c: {  	s17 =	sshll.u32 s0, $0xA;
	s2 =	sadd.s32 s3, s2  }
0x8d: {  	s2 =	sadd.s32 s2, s17  }
0x8e: {  	[smem:$0x3FC6] =	sst s2  }
0x8f: {  	_ = 	snop  }
0x90: {  	s2 =	sld [smem:$0x3FC9]  }
0x91: {  	s18 =	sld [smem:$0x3FC8];
	(tm) =	ssettm $0x1  }
0x92: {  	s4 =	sld [smem:$0x3FFB];
	_ =	sdelay $0x3  }
0x93: {  	_ =	strace s4  }
0x94: {  	s4 =	sld [smem:$0x3FFC];
	_ =	sdelay $0x3  }
0x95: {  	_ =	strace s4  }
0x96: {  	s4 =	sld [smem:$0x3FFD];
	_ =	sdelay $0x3  }
0x97: {  	_ =	strace s4  }
0x98: {  	_ =	strace $0x8FFFFFFF  }
0x99: {  	s19 =	sld [smem:$0x3FDB];
	_ =	sdelay $0x1  }
0x9a: {  	s5 =	simm.s32 $_scs_section_size  }
0x9b: {  	s6 =	simm.s32 $_size__tile_overlayer_lowered;
	s7 =	simm.s32 $_tile_overlayer_lowered  }
0x9c: {  	s22 =	simm.s32 $0x1BFF;
	s21 =	sshll.u32 s7, $0x1;
	s4 =	sadd.s32 s5, s19  }
0x9d: {  	s8 =	simm.s32 $0x0;
	s20 =	sshll.u32 s6, $0x1;
	s6 =	sadd.s32 s21, s4  }
0x9e: {  	[timem:s8], [sflag:s22] =	dma.local [hbm:s6], s20  }
0x9f: {  	_ =	swait.ge [sflag:s22], s20  }
0xa0: {  	s5 =	ssub.s32 $0x0, s20;
	[sflag:s22] =	ssyncset.done $0x0  }
0xa1: {  	[sflag:s22] =	ssyncadd.s32 s5;
	_ =	sdelay $0x1  }
0xa2: {  	s23 =	simm.s32 $0x1B8B  }
0xa3: {  	_ =	swait.ge [sflag:s23], $0x1  }
0xa4: {  	[sflag:s23] =	ssyncset.done $0x0  }
0xa5: {  	s25 =	simm.s32 $0x1B8E;
	s24 =	sld [smem:$0x3FFE];
	[sflag:s23] =	ssyncadd.s32 $0xFFFFFFFF  }
0xa6: {  	s26 =	simm.s32 $execute0_lowered;
	[smem:$0x3FD2] =	sst s25  }
0xa7: {  	s6 =	sshll.u32 s26, $0x1;
	_ =	strace $0x80000046;
	[dreg:$0x1] =	wrdreg $0xFFFFFFFF  }
0xa8: {  	s28 =	simm.s32 $_size_execute0_lowered;
	s4 =	sadd.s32 s4, s6;
	[dreg:$0x0] =	wrdreg $0x0  }
0xa9: {  	s6 =	sshll.u32 s28, $0x1;
	[dreg:$0x2] =	wrdreg s4  }
0xaa: {  	[dreg:$0x3] =	wrdreg s6  }
0xab: {  	[dreg:$0x4] =	wrdreg $0xC0  }
0xac: {  	_ =	task [dreg:s8], $0x5FFFF  }
0xad: {  	[dreg:$0x1] =	wrdreg $0xFFFFFFFF  }
0xae: {  	[dreg:$0x0] =	wrdreg $0x60  }
0xaf: {  	[dreg:$0x2] =	wrdreg s2  }
0xb0: {  	[dreg:$0x3] =	wrdreg s18  }
0xb1: {  	[dreg:$0x4] =	wrdreg s24  }
0xb2: {  	[dreg:$0x5] =	wrdreg $0x9  }
0xb3: {  	_ =	task.clear_ibuf [dreg:s8], $0x6FFFF;
	_ =	strace $0x90000046  }
0xb4: {  	s29 =	simm.s32 $0x9;
	_ =	strace $0x80000048  }
0xb5: {  	_ =	swait.ge [sflag:s29], $0x1  }
0xb6: {  	[sflag:s29] =	ssyncadd.s32 $0xFFFFFFFF  }
0xb7: {  	_ =	strace $0x90000048  }
0xb8: {  	_ =	sfence  }
0xb9: {  	s30 =	sld [smem:$0x0];
	_ =	sdelay $0x2  }
0xba: {  	s31 =	sshll.u32 s1, $0xD;
	s1 =	sshrl.u32 s1, $0x2  }
0xbb: {  	s3 =	sand.u32 $0x4000, s31;
	s1 =	sadd.s32 s1, s30  }
0xbc: {  	s0 =	sor.u32 s3, s0;
	s1 =	sshll.u32 s1, $0x11  }
0xbd: {  	s0 =	sor.u32 s1, s0  }
0xbe: {  	s0 =	sadd.s32 $0x8F2B, s0  }
0xbf: {  	[sflag:s0] =	ssyncadd.remote.s32 $0x1  }
0xc0: {  	_ =	sfence.sel $0xFFFF  }
0xc1: {  	[dreg:$0x0] =	wrdreg $0xFFFFFFFF;
	(pc) =	sbr.abs _section_cstart, $3  }
0xc2: {  	[dreg:$0x1] =	wrdreg $0xFFFFFFFF  }
0xc3: {  	_ =	task.clear_ibuf [dreg:s8], $0x2FFFF;
	_ =	strace $0x9FFFFFFF  }
0xc4: {  	(tm) =	ssettm $0x7FFFFFFF  }
0xc5: {  	_ =	shalt  }
tec
execute0_lowered:
.L_overlay_start_1:
0x0: {  	(tag) =	ssettag $0x1  }
0x1: {  	s1 =	rddreg [dreg:$0x0]  }
0x2: {  	s0 =	rddreg [dreg:$0x1]  }
0x3: {  	s2 =	rddreg [dreg:$0x2];
	s3 =	srdreg.scid  }
0x4: {  	s4 =	stileid.u32;
	s11 =	simm.s32 $0x3;
	s12 =	simm.s32 $0x4000  }
0x5: {  	s13 =	simm.s32 $0x1;
	s14 =	simm.s32 $0x2;
	s15 =	simm.s32 $0x8280  }
0x6: {  	s16 =	simm.s32 $0x0;
	s5 =	sand.u32 $0x1, s3;
	s3 =	simm.s32 $0x0  }
0x7: {  	s4 =	sshll.u32 s4, $0xA;
	s6 =	sshll.u32 s5, $0x9;
	[smem:$0x7FF] =	sst s3  }
.Ltmp0:
0x8: {  	s30 =	ssub.s32 $0x2, s5;
	s6 =	sor.u32 s6, s4;
	(pc) =	sbr.rel .LBB2_1-.Ltmp0, $4  }
0x9: {  	_ =	strace $0x80000047;
	s7 =	sshrl.u32 s30, $0x1;
	s4 =	sor.u32 $0x4000, s6  }
0xa: {  	s2 =	sadd.s32 s6, s2;
	s9 =	ssub.s32 s30, s7;
	s31 =	sshll.u32 s4, $0x5  }
0xb: {  	s8 =	sshrl.u32 s4, $0x3;
	s9 =	smax.u32 s9, $0x1;
	s5 =	sadd.s32 s1, s31  }
0xc: {  	v0 =	vimm.f32 $-Inf;
	s6 =	sadd.s32 s0, s8;
	s8 =	sadd.s32 $0x400, s2;
	s7 =	sadd.s32 $0x1000, s5  }
.LBB2_23:
0xd: {  	s16 =	sadd.s32 $0x1, s16  }
0xe: {  	p0 =	sne.s32 s16, s9  }
.Ltmp1:
0xf: {  	_ = 	snop;
	(pc) =	sbr.rel @!p0 .LBB2_24-.Ltmp1, $4  }
0x10: {  	[hbm4b:s8+s3] =	stream.linear.scatter [tilespmem:s15], [sflag:$0x3], $0x1000, $0x38;
	[tilespmem:$0x9280] =	vst v63  }
0x11: {  	_ =	swait.ge [sflag:s11], $0x1000  }
0x12: {  	[sflag:s11] =	ssyncset.done $0x0  }
0x13: {  	[sflag:s11] =	ssyncadd.s32 $0xFFFFF000  }
.LBB2_1:
0x14: {  	s0 =	sand.u32 $0x70, s3;
	s2 =	sand.u32 $0x400, s3  }
0x15: {  	s17 =	sor.u32 s0, s2  }
0x16: {  	[tilespmem:s17+$0x8300] =	vst v0  }
0x17: {  	[tilespmem:s17+$0x8380] =	vst v0  }
0x18: {  	[tilespmem:s17+$0x8400] =	vst v0  }
0x19: {  	[tilespmem:s17+$0x8480] =	vst v0  }
0x1a: {  	[tilespmem:s17+$0x8500] =	vst v0  }
0x1b: {  	s18 =	simm.s32 $0x10;
	s19 =	simm.s32 $0x0;
	s0 =	sor.u32 s3, s3;
	[tilespmem:s17+$0x8580] =	vst v0  }
.LBB2_2:
0x1c: {  	p0 =	sne.s32 s18, $0xF0;
	[tilespmem:s17+$0x8280] =	vst v0;
	s0 =	sor.u32 $0x380, s0  }
0x1d: {  	[tilespmem:s0+$0x8280] =	vst v0  }
0x1e: {  	[tilespmem:s17+$0x8A80] =	vst v0  }
0x1f: {  	[tilespmem:s17+$0x8B00] =	vst v0  }
0x20: {  	[tilespmem:s17+$0x8B80] =	vst v0  }
0x21: {  	[tilespmem:s17+$0x8C00] =	vst v0  }
0x22: {  	[tilespmem:s17+$0x8C80] =	vst v0  }
0x23: {  	s19 =	sadd.s32 $0x80, s19;
	[tilespmem:s17+$0x8D00] =	vst v0  }
0x24: {  	s0 =	sand.u32 $0x70, s18;
	s2 =	sand.u32 $0x400, s19;
	[tilespmem:s17+$0x8D80] =	vst v0  }
0x25: {  	[tilespmem:s17+$0x8E00] =	vst v0;
	s17 =	sor.u32 s0, s2  }
0x26: {  	[tilespmem:s17+$0x8300] =	vst v0  }
.Ltmp2:
0x27: {  	[tilespmem:s17+$0x8380] =	vst v0;
	(pc) =	sbr.rel @p0 .LBB2_2-.Ltmp2, $4  }
0x28: {  	[tilespmem:s17+$0x8400] =	vst v0  }
0x29: {  	[tilespmem:s17+$0x8480] =	vst v0  }
0x2a: {  	[tilespmem:s17+$0x8500] =	vst v0  }
0x2b: {  	s0 =	sor.u32 s19, s18;
	s18 =	sadd.s32 $0x10, s18;
	[tilespmem:s17+$0x8580] =	vst v0  }
0x2c: {  	[tilespmem:s17+$0x8280] =	vst v0;
	s0 =	sor.u32 $0x380, s0  }
0x2d: {  	[tilespmem:s0+$0x8280] =	vst v0  }
0x2e: {  	[tilespmem:s17+$0x8A80] =	vst v0  }
0x2f: {  	[tilespmem:s17+$0x8B00] =	vst v0  }
0x30: {  	[tilespmem:s17+$0x8B80] =	vst v0  }
0x31: {  	[tilespmem:s17+$0x8C00] =	vst v0  }
0x32: {  	[tilespmem:s17+$0x8C80] =	vst v0  }
0x33: {  	[tilespmem:s17+$0x8D00] =	vst v0  }
0x34: {  	[tilespmem:s17+$0x8D80] =	vst v0  }
0x35: {  	s31 =	simm.s32 $0x8000;
	[tilespmem:s17+$0x8E00] =	vst v0;
	s17 =	simm.s32 $0x0  }
0x36: {  	[tilespmem:s31], [sflag:$0x3] =	stream.linear.gather [hbm4b:s6+s17], $0x200, $0x38;
	[tilespmem:$0x9280] =	vst v63  }
.Ltmp3:
0x37: {  	_ = 	snop;
	(pc) =	sbr.rel .LBB2_4-.Ltmp3, $4  }
0x38: {  	_ =	swait.ge [sflag:s11], $0x200  }
0x39: {  	[sflag:s11] =	ssyncset.done $0x0  }
0x3a: {  	s18 =	simm.s32 $0x0;
	[sflag:s11] =	ssyncadd.s32 $0xFFFFFE00  }
0x3b: {  	[tilespmem:s17], [sflag:$0x1] =	stream.linear.gather [hbm4b:s5+s17], $0x4000, $0x38;
	[tilespmem:$0x9280] =	vst v63  }
.LBB2_22:
0x3c: {  	s18 =	sadd.s32 $0x1, s18  }
0x3d: {  	p0 =	sne.s32 s18, $0x4  }
.Ltmp4:
0x3e: {  	_ = 	snop;
	(pc) =	sbr.rel @!p0 .LBB2_23-.Ltmp4, $1  }
0x3f: {  	_ =	sdelay $0x3  }
.LBB2_4:
0x40: {  	s0 =	sshll.u32 s18, $0x7  }
0x41: {  	s19 =	sor.u32 $0x40, s0  }
0x42: {  	s2 =	sadd.s32 s4, s19  }
0x43: {  	s2 =	sshll.u32 s2, $0x5  }
.Ltmp5:
0x44: {  	s2 =	sadd.s32 s1, s2;
	(pc) =	sbr.rel .LBB2_5-.Ltmp5, $4  }
0x45: {  	[tilespmem:s12], [sflag:$0x2] =	stream.linear.gather [hbm4b:s2+s17], $0x4000, $0x38;
	[tilespmem:$0x9280] =	vst v63  }
0x46: {  	_ =	swait.ge [sflag:s13], $0x4000  }
0x47: {  	s20 =	sadd.s32 $0x8000, s0;
	[sflag:s13] =	ssyncset.done $0x0  }
0x48: {  	s21 =	simm.s32 $0x0;
	v1 =	vmov s20;
	[sflag:s13] =	ssyncadd.s32 $0xFFFFC000  }
.LBB2_12:
0x49: {  	s21 =	sadd.s32 $0x1, s21  }
0x4a: {  	p0 =	sne.s32 s21, $0x4  }
.Ltmp6:
0x4b: {  	_ = 	snop;
	(pc) =	sbr.rel @!p0 .LBB2_13-.Ltmp6, $1  }
0x4c: {  	_ =	sdelay $0x3  }
.LBB2_5:
0x4d: {  	_ =	sdelay $0x2  }
0x4e: {  	s22 =	sshll.u32 s21, $0x4  }
0x4f: {  	v2 =	vld.idx.msk [tilespmem:v1+s22+$0x0 ss:$0x1], $0xffff;
	_ =	sdelay $0x4  }
0x50: {  	(v2sf) =	vpush v2, $0x0  }
0x51: {  	(v2sf) =	vpush v2, $0xF;
	_ =	sdelay $0xd  }
0x52: {  	s0 =	spop (v2sf)  }
0x53: {  	s2 =	spop (v2sf)  }
0x54: {  	p0 =	sne.s32 s0, s2  }
.Ltmp7:
0x55: {  	_ = 	snop;
	(pc) =	sbr.rel @p0 .LBB2_9-.Ltmp7, $2  }
0x56: {  	_ =	sdelay $0x2  }
0x57: {  	s24 =	simm.s32 $0x0;
	s25 =	simm.s32 $0x0;
	s23 =	sadd.s32 s22, s20  }
0x58: {  	s2 =	sshll.u32 s0, $0x8;
	s26 =	sshll.u32 s0, $0x7;
	s10 =	sshll.u32 s21, $0xC  }
0x59: {  	s22 =	simm.s32 $0x0;
	s2 =	sand.u32 $0xFFFFF800, s2;
	s0 =	sand.u32 $0x380, s26  }
0x5a: {  	s23 =	sand.u32 $0x3FFFF000, s10;
	s0 =	sor.u32 s0, s2;
	s2 =	sand.u32 $0x400, s22  }
0x5b: {  	s31 =	sand.u32 $0x70, s22;
	s24 =	sadd.s32 $0x8280, s0;
	s10 =	sadd.s32 s2, s23  }
0x5c: {  	s26 =	sadd.s32 s2, s24;
	s10 =	sadd.s32 s31, s10  }
0x5d: {  	s25 =	sadd.s32 s31, s26;
	v2 =	vld [tilespmem:s10+$0x0]  }
0x5e: {  	v3 =	vld [tilespmem:s25+$0x0]  }
0x5f: {  	v4 =	vld [tilespmem:s10+$0x80]  }
0x60: {  	v5 =	vld [tilespmem:s10+$0x100]  }
0x61: {  	v6 =	vld [tilespmem:s10+$0x180]  }
0x62: {  	v7 =	vld [tilespmem:s10+$0x200]  }
0x63: {  	s22 =	sor.u32 $0x800, s23;
	v2 =	vmax.f32 v3, v2;
	v3 =	vld [tilespmem:s10+$0x280]  }
0x64: {  	s2 =	sadd.s32 s2, s22;
	v56 =	vld [tilespmem:s10+$0x300];
	v2 =	vmax.f32 v2, v4  }
0x65: {  	v57 =	vld [tilespmem:s10+$0x380];
	s0 =	sadd.s32 s31, s2;
	v2 =	vmax.f32 v2, v5  }
0x66: {  	v58 =	vld [tilespmem:s0+$0x0];
	v2 =	vmax.f32 v2, v6  }
0x67: {  	v59 =	vld [tilespmem:s10+$0x880];
	v2 =	vmax.f32 v2, v7  }
0x68: {  	v2 =	vmax.f32 v2, v3;
	v3 =	vld [tilespmem:s10+$0x900]  }
0x69: {  	v60 =	vld [tilespmem:s10+$0x980];
	v2 =	vmax.f32 v2, v56  }
0x6a: {  	v61 =	vld [tilespmem:s10+$0xA00];
	v2 =	vmax.f32 v2, v57  }
0x6b: {  	v62 =	vld [tilespmem:s10+$0xA80];
	v2 =	vmax.f32 v2, v58  }
0x6c: {  	v63 =	vld [tilespmem:s10+$0xB00];
	v2 =	vmax.f32 v2, v59  }
0x6d: {  	v2 =	vmax.f32 v2, v3;
	v3 =	vld [tilespmem:s10+$0xB80]  }
0x6e: {  	v2 =	vmax.f32 v2, v60  }
0x6f: {  	v2 =	vmax.f32 v2, v61  }
0x70: {  	s26 =	simm.s32 $0x80;
	v2 =	vmax.f32 v2, v62  }
0x71: {  	s31 =	simm.s32 $0x10;
	s30 =	sand.u32 $0x400, s26;
	v2 =	vmax.f32 v2, v63  }
0x72: {  	s28 =	simm.s32 $0x20;
	s29 =	sand.u32 $0x70, s31;
	s0 =	sadd.s32 s30, s23;
	v2 =	vmax.f32 v2, v3  }
.LBB2_7:
0x73: {  	p0 =	seq.s32 s28, $0xF0;
	s2 =	sadd.s32 s30, s24;
	s0 =	sadd.s32 s29, s0;
	[tilespmem:s25+$0x0] =	vst v2  }
0x74: {  	s25 =	sadd.s32 s29, s2;
	v2 =	vld [tilespmem:s0+$0x0]  }
0x75: {  	v3 =	vld [tilespmem:s25+$0x0]  }
0x76: {  	v4 =	vld [tilespmem:s0+$0x80]  }
0x77: {  	v5 =	vld [tilespmem:s0+$0x100]  }
0x78: {  	v6 =	vld [tilespmem:s0+$0x180]  }
0x79: {  	v7 =	vld [tilespmem:s0+$0x200]  }
0x7a: {  	v2 =	vmax.f32 v3, v2;
	v3 =	vld [tilespmem:s0+$0x280]  }
0x7b: {  	s2 =	sadd.s32 s30, s22;
	v2 =	vmax.f32 v2, v4;
	v4 =	vld [tilespmem:s0+$0x300]  }
0x7c: {  	s2 =	sadd.s32 s29, s2;
	v2 =	vmax.f32 v2, v5;
	v5 =	vld [tilespmem:s0+$0x380]  }
0x7d: {  	v2 =	vmax.f32 v2, v6;
	v6 =	vld [tilespmem:s2+$0x0]  }
0x7e: {  	v2 =	vmax.f32 v2, v7;
	v7 =	vld [tilespmem:s0+$0x880]  }
0x7f: {  	v2 =	vmax.f32 v2, v3;
	v3 =	vld [tilespmem:s0+$0x900]  }
0x80: {  	v2 =	vmax.f32 v2, v4;
	v4 =	vld [tilespmem:s0+$0x980]  }
0x81: {  	v2 =	vmax.f32 v2, v5;
	v5 =	vld [tilespmem:s0+$0xA00]  }
0x82: {  	v2 =	vmax.f32 v2, v6;
	v6 =	vld [tilespmem:s0+$0xA80]  }
0x83: {  	v2 =	vmax.f32 v2, v7;
	v7 =	vld [tilespmem:s0+$0xB00]  }
0x84: {  	v2 =	vmax.f32 v2, v3;
	v3 =	vld [tilespmem:s0+$0xB80]  }
.Ltmp8:
0x85: {  	v2 =	vmax.f32 v2, v4;
	(pc) =	sbr.rel @!p0 .LBB2_7-.Ltmp8, $4  }
0x86: {  	v2 =	vmax.f32 v2, v5  }
0x87: {  	s26 =	sadd.s32 $0x80, s26;
	v2 =	vmax.f32 v2, v6  }
0x88: {  	s30 =	sand.u32 $0x400, s26;
	v2 =	vmax.f32 v2, v7  }
0x89: {  	s29 =	sand.u32 $0x70, s28;
	s28 =	sadd.s32 $0x10, s28;
	s0 =	sadd.s32 s30, s23;
	v2 =	vmax.f32 v2, v3  }
0x8a: {  	s2 =	sadd.s32 s30, s24;
	s0 =	sadd.s32 s29, s0;
	[tilespmem:s25+$0x0] =	vst v2  }
0x8b: {  	s2 =	sadd.s32 s29, s2;
	v2 =	vld [tilespmem:s0+$0x0]  }
0x8c: {  	v3 =	vld [tilespmem:s2+$0x0]  }
0x8d: {  	v4 =	vld [tilespmem:s0+$0x80]  }
0x8e: {  	v5 =	vld [tilespmem:s0+$0x100]  }
0x8f: {  	v6 =	vld [tilespmem:s0+$0x180]  }
0x90: {  	v7 =	vld [tilespmem:s0+$0x200]  }
0x91: {  	v2 =	vmax.f32 v3, v2;
	v3 =	vld [tilespmem:s0+$0x280]  }
0x92: {  	s10 =	sadd.s32 s30, s22;
	v56 =	vld [tilespmem:s0+$0x300];
	v2 =	vmax.f32 v2, v4  }
0x93: {  	v57 =	vld [tilespmem:s0+$0x380];
	s10 =	sadd.s32 s29, s10;
	v2 =	vmax.f32 v2, v5  }
0x94: {  	v58 =	vld [tilespmem:s10+$0x0];
	v2 =	vmax.f32 v2, v6  }
0x95: {  	v59 =	vld [tilespmem:s0+$0x880];
	v2 =	vmax.f32 v2, v7  }
0x96: {  	v2 =	vmax.f32 v2, v3;
	v3 =	vld [tilespmem:s0+$0x900]  }
0x97: {  	v60 =	vld [tilespmem:s0+$0x980];
	v2 =	vmax.f32 v2, v56  }
0x98: {  	v61 =	vld [tilespmem:s0+$0xA00];
	v2 =	vmax.f32 v2, v57  }
0x99: {  	v62 =	vld [tilespmem:s0+$0xA80];
	v2 =	vmax.f32 v2, v58  }
0x9a: {  	v63 =	vld [tilespmem:s0+$0xB00];
	v2 =	vmax.f32 v2, v59  }
0x9b: {  	v2 =	vmax.f32 v2, v3;
	v3 =	vld [tilespmem:s0+$0xB80]  }
0x9c: {  	v2 =	vmax.f32 v2, v60  }
.Ltmp9:
0x9d: {  	v2 =	vmax.f32 v2, v61;
	(pc) =	sbr.rel .LBB2_12-.Ltmp9, $4  }
0x9e: {  	v2 =	vmax.f32 v2, v62  }
0x9f: {  	v2 =	vmax.f32 v2, v63  }
0xa0: {  	v2 =	vmax.f32 v2, v3  }
0xa1: {  	[tilespmem:s2+$0x0] =	vst v2  }
.LBB2_9:
0xa2: {  	s0 =	sadd.s32 s25, s23  }
0xa3: {  	v2 =	vld [tilespmem:s0+$0x0];
	_ =	sdelay $0x4  }
0xa4: {  	(v2sf) =	vpush v2, $0x0;
	_ =	sdelay $0xc  }
0xa5: {  	s10 =	sadd.s32 s22, s25  }
0xa6: {  	s10 =	sshll.u32 s10, $0x8  }
0xa7: {  	s10 =	sand.u32 $0x3800, s10;
	s26 =	spop (v2sf)  }
0xa8: {  	s2 =	sshll.u32 s26, $0x8;
	s0 =	sshll.u32 s26, $0x7;
	s26 =	sshll.u32 s25, $0x7  }
0xa9: {  	s2 =	sand.u32 $0xFFFFF800, s2;
	s0 =	sand.u32 $0x380, s0;
	s26 =	sand.u32 $0x380, s26  }
0xaa: {  	s0 =	sor.u32 s0, s2;
	s26 =	sor.u32 s26, s10;
	s2 =	sand.u32 $0x400, s24  }
0xab: {  	s28 =	sadd.s32 $0x8280, s0;
	s0 =	sand.u32 $0x70, s24;
	s10 =	sadd.s32 s2, s26  }
0xac: {  	s2 =	sadd.s32 s2, s28;
	s10 =	sadd.s32 s0, s10  }
0xad: {  	s29 =	sadd.s32 s0, s2;
	v2 =	vld [tilespmem:s10+$0x0]  }
0xae: {  	v3 =	vld [tilespmem:s29+$0x0];
	_ =	sdelay $0x2  }
0xaf: {  	s30 =	simm.s32 $0x80  }
0xb0: {  	s10 =	simm.s32 $0x10;
	s2 =	sand.u32 $0x400, s30  }
0xb1: {  	s31 =	simm.s32 $0x20;
	s0 =	sand.u32 $0x70, s10;
	s10 =	sadd.s32 s2, s26;
	v2 =	vmax.f32 v3, v2  }
.LBB2_10:
0xb2: {  	p0 =	sne.s32 s31, $0xF0;
	s2 =	sadd.s32 s2, s28;
	s10 =	sadd.s32 s0, s10;
	[tilespmem:s29+$0x0] =	vst v2  }
0xb3: {  	s29 =	sadd.s32 s0, s2;
	v2 =	vld [tilespmem:s10+$0x0]  }
0xb4: {  	v3 =	vld [tilespmem:s29+$0x0]  }
.Ltmp10:
0xb5: {  	(pc) =	sbr.rel @p0 .LBB2_10-.Ltmp10, $4  }
0xb6: {  	_ = 	snop  }
0xb7: {  	s30 =	sadd.s32 $0x80, s30  }
0xb8: {  	s2 =	sand.u32 $0x400, s30  }
0xb9: {  	s0 =	sand.u32 $0x70, s31;
	s31 =	sadd.s32 $0x10, s31;
	s10 =	sadd.s32 s2, s26;
	v2 =	vmax.f32 v3, v2  }
0xba: {  	s2 =	sadd.s32 s2, s28;
	s10 =	sadd.s32 s0, s10;
	[tilespmem:s29+$0x0] =	vst v2  }
0xbb: {  	s31 =	sadd.s32 s0, s2;
	v2 =	vld [tilespmem:s10+$0x0]  }
0xbc: {  	s25 =	sadd.s32 $0x1, s25;
	v3 =	vld [tilespmem:s31+$0x0]  }
0xbd: {  	p0 =	sne.s32 s25, $0x10  }
.Ltmp11:
0xbe: {  	_ = 	snop;
	(pc) =	sbr.rel @p0 .LBB2_9-.Ltmp11, $4  }
.Ltmp12:
0xbf: {  	_ = 	snop;
	(pc) =	sbr.rel @!p0 .LBB2_12-.Ltmp12, $4  }
0xc0: {  	_ = 	snop  }
0xc1: {  	v2 =	vmax.f32 v3, v2  }
0xc2: {  	[tilespmem:s31+$0x0] =	vst v2  }
0xc3: {  	_ = 	snop  }
.LBB2_13:
0xc4: {  	p0 =	seq.s32 s18, $0x3  }
0xc5: {  	s0 =	sshll.u32 @!p0 s18, $0xC  }
.Ltmp13:
0xc6: {  	s2 =	simm.s32 @!p0 $0x0;
	s0 =	sadd.s32 @!p0 s0, s7;
	(pc) =	sbr.rel .LBB2_14-.Ltmp13, $4  }
0xc7: {  	[tilespmem:s2], [sflag:$0x1] =	stream.linear.gather @!p0 [hbm4b:s0+s2], $0x4000, $0x38;
	[tilespmem:$0x9280] =	vst v63  }
0xc8: {  	_ =	swait.ge [sflag:s14], $0x4000  }
0xc9: {  	s19 =	sadd.s32 $0x8000, s19;
	[sflag:s14] =	ssyncset.done $0x0  }
0xca: {  	s20 =	simm.s32 $0x0;
	v1 =	vmov s19;
	[sflag:s14] =	ssyncadd.s32 $0xFFFFC000  }
.LBB2_21:
0xcb: {  	s20 =	sadd.s32 $0x1, s20  }
0xcc: {  	p0 =	sne.s32 s20, $0x4  }
.Ltmp14:
0xcd: {  	_ = 	snop;
	(pc) =	sbr.rel @!p0 .LBB2_22-.Ltmp14, $1  }
0xce: {  	_ =	sdelay $0x3  }
.LBB2_14:
0xcf: {  	_ =	sdelay $0x2  }
0xd0: {  	s21 =	sshll.u32 s20, $0x4  }
0xd1: {  	v2 =	vld.idx.msk [tilespmem:v1+s21+$0x0 ss:$0x1], $0xffff;
	_ =	sdelay $0x4  }
0xd2: {  	(v2sf) =	vpush v2, $0x0  }
0xd3: {  	(v2sf) =	vpush v2, $0xF;
	_ =	sdelay $0xd  }
0xd4: {  	s0 =	spop (v2sf)  }
0xd5: {  	s2 =	spop (v2sf)  }
0xd6: {  	p0 =	sne.s32 s0, s2  }
.Ltmp15:
0xd7: {  	_ = 	snop;
	(pc) =	sbr.rel @p0 .LBB2_18-.Ltmp15, $2  }
0xd8: {  	_ =	sdelay $0x2  }
0xd9: {  	s23 =	simm.s32 $0x0;
	s22 =	sadd.s32 s21, s19  }
0xda: {  	s2 =	sshll.u32 s0, $0x8  }
0xdb: {  	s30 =	sshll.u32 s0, $0x7;
	s10 =	sshll.u32 s20, $0xC;
	s21 =	simm.s32 $0x0  }
0xdc: {  	s2 =	sand.u32 $0xFFFFF800, s2;
	s0 =	sand.u32 $0x380, s30;
	s10 =	sand.u32 $0x3FFFF000, s10  }
0xdd: {  	s31 =	sand.u32 $0x400, s21;
	s0 =	sor.u32 s0, s2;
	s22 =	sadd.s32 $0x4000, s10  }
0xde: {  	s26 =	sand.u32 $0x70, s21;
	s23 =	sadd.s32 $0x8280, s0;
	s30 =	sadd.s32 s31, s22  }
0xdf: {  	s24 =	sadd.s32 s31, s23;
	s25 =	sadd.s32 s26, s30  }
0xe0: {  	s24 =	sadd.s32 s26, s24;
	v2 =	vld [tilespmem:s25+$0x0]  }
0xe1: {  	v3 =	vld [tilespmem:s24+$0x0]  }
0xe2: {  	v4 =	vld [tilespmem:s25+$0x80]  }
0xe3: {  	v5 =	vld [tilespmem:s25+$0x100]  }
0xe4: {  	v6 =	vld [tilespmem:s25+$0x180]  }
0xe5: {  	v7 =	vld [tilespmem:s25+$0x200]  }
0xe6: {  	s21 =	sadd.s32 $0x4800, s10;
	v2 =	vmax.f32 v3, v2;
	v3 =	vld [tilespmem:s25+$0x280]  }
0xe7: {  	s2 =	sadd.s32 s31, s21;
	v56 =	vld [tilespmem:s25+$0x300];
	v2 =	vmax.f32 v2, v4  }
0xe8: {  	s0 =	sadd.s32 s26, s2;
	v57 =	vld [tilespmem:s25+$0x380];
	v2 =	vmax.f32 v2, v5  }
0xe9: {  	v58 =	vld [tilespmem:s0+$0x0];
	v2 =	vmax.f32 v2, v6  }
0xea: {  	v59 =	vld [tilespmem:s25+$0x880];
	v2 =	vmax.f32 v2, v7  }
0xeb: {  	v2 =	vmax.f32 v2, v3;
	v3 =	vld [tilespmem:s25+$0x900]  }
0xec: {  	v60 =	vld [tilespmem:s25+$0x980];
	v2 =	vmax.f32 v2, v56  }
0xed: {  	v61 =	vld [tilespmem:s25+$0xA00];
	v2 =	vmax.f32 v2, v57  }
0xee: {  	v62 =	vld [tilespmem:s25+$0xA80];
	v2 =	vmax.f32 v2, v58  }
0xef: {  	v63 =	vld [tilespmem:s25+$0xB00];
	v2 =	vmax.f32 v2, v59  }
0xf0: {  	v2 =	vmax.f32 v2, v3;
	v3 =	vld [tilespmem:s25+$0xB80]  }
0xf1: {  	v2 =	vmax.f32 v2, v60  }
0xf2: {  	v2 =	vmax.f32 v2, v61  }
0xf3: {  	s25 =	simm.s32 $0x80;
	v2 =	vmax.f32 v2, v62  }
0xf4: {  	s31 =	simm.s32 $0x10;
	s29 =	sand.u32 $0x400, s25;
	v2 =	vmax.f32 v2, v63  }
0xf5: {  	s28 =	sand.u32 $0x70, s31;
	s26 =	simm.s32 $0x20;
	s0 =	sadd.s32 s29, s22;
	v2 =	vmax.f32 v2, v3  }
.LBB2_16:
0xf6: {  	p0 =	seq.s32 s26, $0xF0;
	s2 =	sadd.s32 s29, s23;
	s0 =	sadd.s32 s28, s0;
	[tilespmem:s24+$0x0] =	vst v2  }
0xf7: {  	s24 =	sadd.s32 s28, s2;
	v2 =	vld [tilespmem:s0+$0x0]  }
0xf8: {  	v3 =	vld [tilespmem:s24+$0x0]  }
0xf9: {  	v4 =	vld [tilespmem:s0+$0x80]  }
0xfa: {  	v5 =	vld [tilespmem:s0+$0x100]  }
0xfb: {  	v6 =	vld [tilespmem:s0+$0x180]  }
0xfc: {  	v7 =	vld [tilespmem:s0+$0x200]  }
0xfd: {  	v2 =	vmax.f32 v3, v2;
	v3 =	vld [tilespmem:s0+$0x280]  }
0xfe: {  	s2 =	sadd.s32 s29, s21;
	v2 =	vmax.f32 v2, v4;
	v4 =	vld [tilespmem:s0+$0x300]  }
0xff: {  	s2 =	sadd.s32 s28, s2;
	v2 =	vmax.f32 v2, v5;
	v5 =	vld [tilespmem:s0+$0x380]  }
0x100: {  	v2 =	vmax.f32 v2, v6;
	v6 =	vld [tilespmem:s2+$0x0]  }
0x101: {  	v2 =	vmax.f32 v2, v7;
	v7 =	vld [tilespmem:s0+$0x880]  }
0x102: {  	v2 =	vmax.f32 v2, v3;
	v3 =	vld [tilespmem:s0+$0x900]  }
0x103: {  	v2 =	vmax.f32 v2, v4;
	v4 =	vld [tilespmem:s0+$0x980]  }
0x104: {  	v2 =	vmax.f32 v2, v5;
	v5 =	vld [tilespmem:s0+$0xA00]  }
0x105: {  	v2 =	vmax.f32 v2, v6;
	v6 =	vld [tilespmem:s0+$0xA80]  }
0x106: {  	v2 =	vmax.f32 v2, v7;
	v7 =	vld [tilespmem:s0+$0xB00]  }
0x107: {  	v2 =	vmax.f32 v2, v3;
	v3 =	vld [tilespmem:s0+$0xB80]  }
.Ltmp16:
0x108: {  	v2 =	vmax.f32 v2, v4;
	(pc) =	sbr.rel @!p0 .LBB2_16-.Ltmp16, $4  }
0x109: {  	v2 =	vmax.f32 v2, v5  }
0x10a: {  	s25 =	sadd.s32 $0x80, s25;
	v2 =	vmax.f32 v2, v6  }
0x10b: {  	s29 =	sand.u32 $0x400, s25;
	v2 =	vmax.f32 v2, v7  }
0x10c: {  	s28 =	sand.u32 $0x70, s26;
	s26 =	sadd.s32 $0x10, s26;
	s0 =	sadd.s32 s29, s22;
	v2 =	vmax.f32 v2, v3  }
0x10d: {  	s2 =	sadd.s32 s29, s23;
	s0 =	sadd.s32 s28, s0;
	[tilespmem:s24+$0x0] =	vst v2  }
0x10e: {  	s2 =	sadd.s32 s28, s2;
	v2 =	vld [tilespmem:s0+$0x0]  }
0x10f: {  	v3 =	vld [tilespmem:s2+$0x0]  }
0x110: {  	v4 =	vld [tilespmem:s0+$0x80]  }
0x111: {  	v5 =	vld [tilespmem:s0+$0x100]  }
0x112: {  	v6 =	vld [tilespmem:s0+$0x180]  }
0x113: {  	v7 =	vld [tilespmem:s0+$0x200]  }
0x114: {  	v2 =	vmax.f32 v3, v2;
	v3 =	vld [tilespmem:s0+$0x280]  }
0x115: {  	s10 =	sadd.s32 s29, s21;
	v56 =	vld [tilespmem:s0+$0x300];
	v2 =	vmax.f32 v2, v4  }
0x116: {  	v57 =	vld [tilespmem:s0+$0x380];
	s10 =	sadd.s32 s28, s10;
	v2 =	vmax.f32 v2, v5  }
0x117: {  	v58 =	vld [tilespmem:s10+$0x0];
	v2 =	vmax.f32 v2, v6  }
0x118: {  	v59 =	vld [tilespmem:s0+$0x880];
	v2 =	vmax.f32 v2, v7  }
0x119: {  	v2 =	vmax.f32 v2, v3;
	v3 =	vld [tilespmem:s0+$0x900]  }
0x11a: {  	v60 =	vld [tilespmem:s0+$0x980];
	v2 =	vmax.f32 v2, v56  }
0x11b: {  	v61 =	vld [tilespmem:s0+$0xA00];
	v2 =	vmax.f32 v2, v57  }
0x11c: {  	v62 =	vld [tilespmem:s0+$0xA80];
	v2 =	vmax.f32 v2, v58  }
0x11d: {  	v63 =	vld [tilespmem:s0+$0xB00];
	v2 =	vmax.f32 v2, v59  }
0x11e: {  	v2 =	vmax.f32 v2, v3;
	v3 =	vld [tilespmem:s0+$0xB80]  }
0x11f: {  	v2 =	vmax.f32 v2, v60  }
.Ltmp17:
0x120: {  	v2 =	vmax.f32 v2, v61;
	(pc) =	sbr.rel .LBB2_21-.Ltmp17, $4  }
0x121: {  	v2 =	vmax.f32 v2, v62  }
0x122: {  	v2 =	vmax.f32 v2, v63  }
0x123: {  	v2 =	vmax.f32 v2, v3  }
0x124: {  	[tilespmem:s2+$0x0] =	vst v2  }
.LBB2_18:
0x125: {  	s0 =	sadd.s32 s23, s22  }
0x126: {  	v2 =	vld [tilespmem:s0+$0x0];
	_ =	sdelay $0x4  }
0x127: {  	(v2sf) =	vpush v2, $0x0;
	_ =	sdelay $0xd  }
0x128: {  	s10 =	sadd.s32 s21, s23;
	s24 =	sshll.u32 s23, $0x7;
	s26 =	simm.s32 $0x0  }
0x129: {  	s10 =	sshll.u32 s10, $0x8;
	s24 =	sand.u32 $0x380, s24;
	s30 =	spop (v2sf)  }
0x12a: {  	s10 =	sand.u32 $0x3800, s10;
	s2 =	sshll.u32 s30, $0x8;
	s0 =	sshll.u32 s30, $0x7  }
0x12b: {  	s10 =	sor.u32 s24, s10;
	s2 =	sand.u32 $0xFFFFF800, s2;
	s0 =	sand.u32 $0x380, s0  }
0x12c: {  	s31 =	sand.u32 $0x400, s26;
	s24 =	sor.u32 $0x4000, s10;
	s0 =	sor.u32 s0, s2  }
0x12d: {  	s10 =	sadd.s32 s31, s24;
	s30 =	sand.u32 $0x70, s26;
	s25 =	sadd.s32 $0x8280, s0  }
0x12e: {  	s10 =	sadd.s32 s30, s10;
	s2 =	sadd.s32 s31, s25  }
0x12f: {  	v2 =	vld [tilespmem:s10+$0x0];
	s26 =	sadd.s32 s30, s2  }
0x130: {  	v3 =	vld [tilespmem:s26+$0x0];
	_ =	sdelay $0x2  }
0x131: {  	s28 =	simm.s32 $0x80  }
0x132: {  	s31 =	simm.s32 $0x10;
	s2 =	sand.u32 $0x400, s28  }
0x133: {  	s29 =	simm.s32 $0x20;
	s0 =	sand.u32 $0x70, s31;
	s10 =	sadd.s32 s2, s24;
	v2 =	vmax.f32 v3, v2  }
.LBB2_19:
0x134: {  	p0 =	sne.s32 s29, $0xF0;
	s2 =	sadd.s32 s2, s25;
	s10 =	sadd.s32 s0, s10;
	[tilespmem:s26+$0x0] =	vst v2  }
0x135: {  	s26 =	sadd.s32 s0, s2;
	v2 =	vld [tilespmem:s10+$0x0]  }
0x136: {  	v3 =	vld [tilespmem:s26+$0x0]  }
.Ltmp18:
0x137: {  	(pc) =	sbr.rel @p0 .LBB2_19-.Ltmp18, $4  }
0x138: {  	_ = 	snop  }
0x139: {  	s28 =	sadd.s32 $0x80, s28  }
0x13a: {  	s2 =	sand.u32 $0x400, s28  }
0x13b: {  	s0 =	sand.u32 $0x70, s29;
	s29 =	sadd.s32 $0x10, s29;
	s10 =	sadd.s32 s2, s24;
	v2 =	vmax.f32 v3, v2  }
0x13c: {  	s2 =	sadd.s32 s2, s25;
	s10 =	sadd.s32 s0, s10;
	[tilespmem:s26+$0x0] =	vst v2  }
0x13d: {  	s31 =	sadd.s32 s0, s2;
	v2 =	vld [tilespmem:s10+$0x0]  }
0x13e: {  	s23 =	sadd.s32 $0x1, s23;
	v3 =	vld [tilespmem:s31+$0x0]  }
0x13f: {  	p0 =	sne.s32 s23, $0x10  }
.Ltmp19:
0x140: {  	_ = 	snop;
	(pc) =	sbr.rel @p0 .LBB2_18-.Ltmp19, $4  }
.Ltmp20:
0x141: {  	_ = 	snop;
	(pc) =	sbr.rel @!p0 .LBB2_21-.Ltmp20, $4  }
0x142: {  	_ = 	snop  }
0x143: {  	v2 =	vmax.f32 v3, v2  }
0x144: {  	[tilespmem:s31+$0x0] =	vst v2  }
0x145: {  	_ = 	snop  }
.LBB2_24:
0x146: {  	_ =	sfence.sel $0x180000  }
0x147: {  	[bflag:$0x0] =	sbarrier.arrive $0xFFFF  }
0x148: {  	_ =	strace $0x90000047  }
0x149: {  	s0 =	stileid.u32;
	[bflag:$0x2] =	sbarrier.arrive $0xFFFF  }
0x14a: {  	p0 =	sne.s32 s0, $0x0;
	s0 =	rddreg [dreg:$0x3]  }
0x14b: {  	s0 =	sadd.s32 @!p0 $0x100000, s0  }
0x14c: {  	[sflag:s0] =	ssyncadd.tile.s32 @!p0 $0x1;
	_ =	shalt  }
.Lfunc_end2:
_tile_overlayer_lowered:
.L_overlay_start_2:
0x14d: {  	(tag) =	ssettag $0x2  }
0x14e: {  	s0 =	rddreg [dreg:$0x0];
	s2 =	stileid.u32  }
0x14f: {  	s1 =	rddreg [dreg:$0x1];
	p0 =	sne.s32 s2, $0x0  }
0x150: {  	s3 =	rddreg [dreg:$0x2];
	[bflag:$0x3] =	sbarrier.arrive $0xFFFF;
	s2 =	simm.s32 @!p0 $0x1C03  }
0x151: {  	[timem:s3], [sflag:s2] =	dma.local @!p0 [hbm:s0], s1  }
0x152: {  	s0 =	simm.s32 @!p0 $0x3  }
0x153: {  	_ =	swait.ge @!p0 [sflag:s0], s1  }
0x154: {  	s1 =	ssub.s32 @!p0 $0x0, s1;
	[sflag:s0] =	ssyncset.done @!p0 $0x0  }
0x155: {  	[sflag:s0] =	ssyncadd.s32 @!p0 s1  }
0x156: {  	[bflag:$0x3] =	sbarrier.arrive $0xFFFF  }
0x157: {  	_ =	shalt  }

</sc_bundles>
